<compile_context>
chip_gen: v7x
topology: tpu7x:2x2x1
jax: 0.10.2.dev20260603
libtpu: 0.0.44.dev20260713+nightly
codegen_flags: <defaults>
</compile_context>

<pallas_src>
import functools

import jax
import jax.numpy as jnp
from jax import lax
from jax.experimental import pallas as pl
from jax.experimental.pallas import tpu as pltpu
from jax.experimental.pallas import tpu_sc as plsc

N = 10000
E = 320000
H = 128
G = 100
L = 2

NC = 2
NS = 16
NW = NC * NS
CH = 64
NCH = 159
EPW = CH * NCH
EPAD = EPW * NW
NP = 10112
RPS = NP // NS


DEPTH = 3


def _sc_aggr_body(h_hbm, src_hbm, dst_hbm, z_hbm, out_hbm,
                  didx_v, sbuf0, sbuf1, sbuf2, rows0, rows1, rows2,
                  shared_aggr, isem0, isem1, isem2,
                  gsem0, gsem1, gsem2, ssem0, ssem1, ssem2):
    c = lax.axis_index("c")
    s = lax.axis_index("s")
    wid = s * NC + c
    sbufs = (sbuf0, sbuf1, sbuf2)
    rows = (rows0, rows1, rows2)
    isems = (isem0, isem1, isem2)
    gsems = (gsem0, gsem1, gsem2)
    ssems = (ssem0, ssem1, ssem2)

    pltpu.sync_copy(z_hbm, shared_aggr.at[pl.ds(s * RPS, RPS)])
    pltpu.sync_copy(dst_hbm.at[wid], didx_v)
    plsc.subcore_barrier()

    def sidx(j, b):
        pltpu.async_copy(src_hbm.at[wid, j], sbufs[b], isems[b])

    def sidx_wait(b):
        pltpu.make_async_copy(src_hbm.at[wid, 0], sbufs[b], isems[b]).wait()

    def gather(b):
        pltpu.async_copy(h_hbm.at[sbufs[b]], rows[b], gsems[b])

    def gather_wait(b):
        pltpu.make_async_copy(h_hbm.at[sbufs[b]], rows[b], gsems[b]).wait()

    def scatter(j, b):
        pltpu.async_copy(rows[b], shared_aggr.at[didx_v.at[j]], ssems[b],
                         add=True)

    def scatter_wait(b):
        pltpu.make_async_copy(rows[b], shared_aggr.at[didx_v.at[0]],
                              ssems[b]).wait()

    for b in range(DEPTH):
        sidx(b, b)
    for b in range(DEPTH):
        sidx_wait(b)
        gather(b)

    def step(i, carry):
        j0 = i * DEPTH
        for b in range(DEPTH):
            j = j0 + b
            gather_wait(b)

            @pl.when(j + DEPTH < NCH)
            def _():
                sidx(j + DEPTH, b)

            scatter(j, b)

            @pl.when(j + DEPTH < NCH)
            def _():
                scatter_wait(b)
                sidx_wait(b)
                gather(b)

        return carry

    lax.fori_loop(0, NCH // DEPTH, step, 0)
    for b in range(DEPTH):
        scatter_wait(b)
    plsc.subcore_barrier()

    pltpu.sync_copy(shared_aggr.at[pl.ds(s * RPS, RPS)],
                    out_hbm.at[c, pl.ds(s * RPS, RPS)])


def _sc_aggregate(h, src_r, dst_r, zeros):
    mesh = plsc.VectorSubcoreMesh(core_axis_name="c", subcore_axis_name="s")
    return pl.kernel(
        _sc_aggr_body,
        out_type=jax.ShapeDtypeStruct((NC, NP, H), jnp.float32),
        mesh=mesh,
        scratch_types=[
            pltpu.VMEM((NCH, CH), jnp.int32),
            pltpu.VMEM((CH,), jnp.int32),
            pltpu.VMEM((CH,), jnp.int32),
            pltpu.VMEM((CH,), jnp.int32),
            pltpu.VMEM((CH, H), jnp.float32),
            pltpu.VMEM((CH, H), jnp.float32),
            pltpu.VMEM((CH, H), jnp.float32),
            pltpu.VMEM_SHARED((NP, H), jnp.float32),
            pltpu.SemaphoreType.DMA,
            pltpu.SemaphoreType.DMA,
            pltpu.SemaphoreType.DMA,
            pltpu.SemaphoreType.DMA,
            pltpu.SemaphoreType.DMA,
            pltpu.SemaphoreType.DMA,
            pltpu.SemaphoreType.DMA,
            pltpu.SemaphoreType.DMA,
            pltpu.SemaphoreType.DMA,
        ],
        name="sc_edge_aggregate",
    )(h, src_r, dst_r, zeros)


def _combine_body(h_ref, p_ref, b_ref, vw_ref, vb_ref, aw_ref, ab_ref,
                  rw_ref, rb_ref, g_ref, bt_ref, *rest):
    if len(rest) == 3:
        pw_ref, pb_ref, o_ref = rest
        maybe_head = (pw_ref, pb_ref)
    else:
        (o_ref,) = rest
        maybe_head = None
    h = h_ref[:]
    aggr = p_ref[0, :N] + p_ref[1, :N]
    onehot = (b_ref[:] == lax.broadcasted_iota(jnp.int32, (1, H), 1)
              ).astype(jnp.float32)
    pooled = lax.dot_general(onehot, h, (((0,), (0,)), ((), ())),
                             preferred_element_type=jnp.float32)
    r_rot = jnp.dot(pooled, rw_ref[:], preferred_element_type=jnp.float32)
    r_term = jnp.dot(onehot, r_rot, preferred_element_type=jnp.float32)
    hn = (jnp.dot(h, vw_ref[:], preferred_element_type=jnp.float32)
          + jnp.dot(aggr, aw_ref[:], preferred_element_type=jnp.float32)
          + r_term + vb_ref[:] + ab_ref[:] + rb_ref[:])
    hn = jnp.maximum(hn, 0.0)
    mean = jnp.mean(hn, axis=0, keepdims=True)
    cen = hn - mean
    var = jnp.mean(cen * cen, axis=0, keepdims=True)
    out = cen * lax.rsqrt(var + 1e-5) * g_ref[:] + bt_ref[:]
    if maybe_head:
        pw_ref, pb_ref = maybe_head
        out = jnp.dot(out, pw_ref[:], preferred_element_type=jnp.float32) \
            + pb_ref[:]
    o_ref[:] = out


def _combine(h, parts, batch_col, vw, vb, aw, ab, rw, rb, g, bt,
             head=None):
    args = [h, parts, batch_col, vw, vb, aw, ab, rw, rb, g, bt]
    if head is not None:
        args += [head[0], head[1]]
    return pl.pallas_call(
        _combine_body,
        out_shape=jax.ShapeDtypeStruct((N, H), jnp.float32),
        name="tc_combine",
    )(*args)


@jax.jit
def kernel(x, edge_index, batch, Vw, Vb, Aw, Ab, Rw, Rb, gamma, beta, Pw, Pb):
    pad = EPAD - E
    pad_idx = jnp.arange(pad, dtype=jnp.int32)
    src_r = jnp.concatenate(
        [edge_index[0], (pad_idx * 13) % N]).reshape(NW, NCH, CH)
    dst_r = jnp.concatenate(
        [edge_index[1], N + pad_idx % (NP - N)]).reshape(NW, NCH, CH)
    zeros = jnp.zeros((RPS, H), dtype=jnp.float32)
    batch_col = batch.reshape(N, 1)

    h = x
    for l in range(L):
        parts = _sc_aggregate(h, src_r, dst_r, zeros)
        head = (Pw, Pb) if l == L - 1 else None
        h = _combine(h, parts, batch_col,
                     Vw[l], Vb[l].reshape(1, H), Aw[l], Ab[l].reshape(1, H),
                     Rw[l], Rb[l].reshape(1, H),
                     gamma[l].reshape(1, H), beta[l].reshape(1, H),
                     head=head)
    return h

# --- scband reference (transcript-rebuilt; emitter-appended) ---
"""Pipeline reference for scband-acrgnn-19688130085206 (READ-ONLY COPY).

The authoritative reference and input builder live on the scoring server;
editing this copy changes nothing except your own understanding.
"""

import jax, jax.numpy as jnp
import numpy as np

N = 10000
E = 320000
D = 128
H = 128
O = 128
L = 2
G = 100


def setup_inputs(seed: int = 0) -> dict:
    key = jax.random.key(seed)
    ks = jax.random.split(key, 14)
    x = jax.random.normal(ks[0], (N, D), dtype=jnp.float32)
    edge_index = jax.random.randint(ks[1], (2, E), 0, N, dtype=jnp.int32)
    batch = jnp.sort(jax.random.randint(ks[2], (N,), 0, G, dtype=jnp.int32))
    s = 1.0 / np.sqrt(H)
    Vw = jax.random.normal(ks[3], (L, H, H), dtype=jnp.float32) * s
    Vb = jax.random.normal(ks[4], (L, H), dtype=jnp.float32) * s
    Aw = jax.random.normal(ks[5], (L, H, H), dtype=jnp.float32) * s
    Ab = jax.random.normal(ks[6], (L, H), dtype=jnp.float32) * s
    Rw = jax.random.normal(ks[7], (L, H, H), dtype=jnp.float32) * s
    Rb = jax.random.normal(ks[8], (L, H), dtype=jnp.float32) * s
    gamma = jnp.ones((L, H), dtype=jnp.float32)
    beta = jnp.zeros((L, H), dtype=jnp.float32)
    Pw = jax.random.normal(ks[9], (H, O), dtype=jnp.float32) * s
    Pb = jax.random.normal(ks[10], (O,), dtype=jnp.float32) * s
    return {"x": x, "edge_index": edge_index, "batch": batch, "Vw": Vw, "Vb": Vb,
            "Aw": Aw, "Ab": Ab, "Rw": Rw, "Rb": Rb, "gamma": gamma, "beta": beta,
            "Pw": Pw, "Pb": Pb}


def reference(x, edge_index, batch, Vw, Vb, Aw, Ab, Rw, Rb, gamma, beta, Pw, Pb):
    src = edge_index[0]
    dst = edge_index[1]
    h = x  # bigger_input is False and hidden==input, padding is a no-op
    for l in range(L):
        # ACRConv: aggregate (sum over incoming neighbors)
        msg = h[src]
        aggr = jnp.zeros((N, H), dtype=h.dtype).at[dst].add(msg)
        # readout (global add pool per graph, broadcast back to nodes)
        pooled = jax.ops.segment_sum(h, batch, num_segments=G)
        readout = pooled[batch]
        # simple combine: V(h) + A(aggr) + R(readout)
        h = (h @ Vw[l] + Vb[l]) + (aggr @ Aw[l] + Ab[l]) + (readout @ Rw[l] + Rb[l])
        # activation (not mlp_combine -> ReLU)
        h = jax.nn.relu(h)
        # BatchNorm1d (training-mode batch statistics over nodes)
        mean = jnp.mean(h, axis=0)
        var = jnp.var(h, axis=0)
        h = (h - mean) / jnp.sqrt(var + 1e-5) * gamma[l] + beta[l]
    # node-level prediction head
    return h @ Pw + Pb

if __name__ == "__main__":
    import jax
    _d = setup_inputs()
    print(jax.jit(kernel)(*tuple(_d.values())))

</pallas_src>

<mosaic_0001>
#map = affine_map<(d0, d1) -> (0, 0)>
#map1 = affine_map<(d0, d1) -> (0, 0, 0)>
module attributes {stable_mosaic.version = 14 : i64} {
  func.func @sc_edge_aggregate(%arg0: i32, %arg1: i32, %arg2: memref<10000x128xf32, #tpu.memory_space<hbm>>, %arg3: memref<32x159x64xi32, #tpu.memory_space<hbm>>, %arg4: memref<32x159x64xi32, #tpu.memory_space<hbm>>, %arg5: memref<632x128xf32, #tpu.memory_space<hbm>>, %arg6: memref<2x10112x128xf32, #tpu.memory_space<hbm>>, %arg7: memref<159x64xi32, #tpu.memory_space<vmem>>, %arg8: memref<64xi32, #tpu.memory_space<vmem>>, %arg9: memref<64xi32, #tpu.memory_space<vmem>>, %arg10: memref<64xi32, #tpu.memory_space<vmem>>, %arg11: memref<64x128xf32, #tpu.memory_space<vmem>>, %arg12: memref<64x128xf32, #tpu.memory_space<vmem>>, %arg13: memref<64x128xf32, #tpu.memory_space<vmem>>, %arg14: memref<10112x128xf32, #tpu.memory_space<vmem_shared>>, %arg15: memref<!tpu.dma_semaphore, #tpu.memory_space<semaphore_mem>>, %arg16: memref<!tpu.dma_semaphore, #tpu.memory_space<semaphore_mem>>, %arg17: memref<!tpu.dma_semaphore, #tpu.memory_space<semaphore_mem>>, %arg18: memref<!tpu.dma_semaphore, #tpu.memory_space<semaphore_mem>>, %arg19: memref<!tpu.dma_semaphore, #tpu.memory_space<semaphore_mem>>, %arg20: memref<!tpu.dma_semaphore, #tpu.memory_space<semaphore_mem>>, %arg21: memref<!tpu.dma_semaphore, #tpu.memory_space<semaphore_mem>>, %arg22: memref<!tpu.dma_semaphore, #tpu.memory_space<semaphore_mem>>, %arg23: memref<!tpu.dma_semaphore, #tpu.memory_space<semaphore_mem>>) attributes {dimension_semantics = [#tpu.dimension_semantics<core_parallel>, #tpu.dimension_semantics<subcore_parallel>], iteration_bounds = array<i64: 2, 16>, scalar_prefetch = 0 : i64, scratch_operands = 17 : i64, tpu.core_type = #tpu.core_type<sc_vector_subcore>, window_params = [{transform_indices = #map}, {transform_indices = #map1}, {transform_indices = #map1}, {transform_indices = #map}, {transform_indices = #map1}]} {
    %mul3A = arith.constant 2 : i32
    %mul3A_0 = arith.muli %arg1, %mul3A : i32
    %add3A = arith.addi %mul3A_0, %arg0 : i32
    %mul3A_1 = arith.constant 632 : i32
    %mul3A_2 = arith.muli %arg1, %mul3A_1 : i32
    "tpu.region"() ({
      %run_scoped3A = tpu.sem_alloc : memref<!tpu.dma_semaphore, #tpu.memory_space<semaphore_mem>>
      %dma_start3A_83 = arith.constant 0 : i32
      %dma_start3A_84 = tpu.memref_slice %arg14[%mul3A_2, %dma_start3A_83] : memref<10112x128xf32, #tpu.memory_space<vmem_shared>> -> memref<632x128xf32, #tpu.memory_space<vmem_shared>>
      tpu.enqueue_dma source(%arg5 : memref<632x128xf32, #tpu.memory_space<hbm>>) target(%dma_start3A_84 : memref<632x128xf32, #tpu.memory_space<vmem_shared>>) target_semaphore(%run_scoped3A : memref<!tpu.dma_semaphore, #tpu.memory_space<semaphore_mem>>)
      %dma_wait3A_85 = arith.constant 0 : i32
      %dma_wait3A_86 = tpu.memref_slice %arg14[%mul3A_2, %dma_wait3A_85] : memref<10112x128xf32, #tpu.memory_space<vmem_shared>> -> memref<632x128xf32, #tpu.memory_space<vmem_shared>>
      tpu.wait_dma2 semaphore(%run_scoped3A : memref<!tpu.dma_semaphore, #tpu.memory_space<semaphore_mem>>) src(%arg5 : memref<632x128xf32, #tpu.memory_space<hbm>>) dst(%dma_wait3A_86 : memref<632x128xf32, #tpu.memory_space<vmem_shared>>)
      tpu.yield
    }) : () -> ()
    "tpu.region"() ({
      %run_scoped3A = tpu.sem_alloc : memref<!tpu.dma_semaphore, #tpu.memory_space<semaphore_mem>>
      %dma_start3A_83 = arith.constant 0 : i32
      %dma_start3A_84 = arith.constant 0 : i32
      %dma_start3A_85 = tpu.memref_slice %arg4[%add3A, %dma_start3A_83, %dma_start3A_84] : memref<32x159x64xi32, #tpu.memory_space<hbm>> -> memref<1x159x64xi32, #tpu.memory_space<hbm>>
      %dma_start3A_86 = tpu.memref_squeeze %dma_start3A_85 : memref<1x159x64xi32, #tpu.memory_space<hbm>> -> memref<159x64xi32, #tpu.memory_space<hbm>>
      %dma_start3A_87 = arith.constant 0 : i32
      %dma_start3A_88 = arith.constant 0 : i32
      %dma_start3A_89 = tpu.memref_slice %arg4[%add3A, %dma_start3A_87, %dma_start3A_88] : memref<32x159x64xi32, #tpu.memory_space<hbm>> -> memref<1x159x64xi32, #tpu.memory_space<hbm>>
      %dma_start3A_90 = tpu.memref_squeeze %dma_start3A_89 : memref<1x159x64xi32, #tpu.memory_space<hbm>> -> memref<159x64xi32, #tpu.memory_space<hbm>>
      tpu.enqueue_dma source(%dma_start3A_90 : memref<159x64xi32, #tpu.memory_space<hbm>>) target(%arg7 : memref<159x64xi32, #tpu.memory_space<vmem>>) target_semaphore(%run_scoped3A : memref<!tpu.dma_semaphore, #tpu.memory_space<semaphore_mem>>)
      %dma_wait3A_91 = arith.constant 0 : i32
      %dma_wait3A_92 = arith.constant 0 : i32
      %dma_wait3A_93 = tpu.memref_slice %arg4[%add3A, %dma_wait3A_91, %dma_wait3A_92] : memref<32x159x64xi32, #tpu.memory_space<hbm>> -> memref<1x159x64xi32, #tpu.memory_space<hbm>>
      %dma_wait3A_94 = tpu.memref_squeeze %dma_wait3A_93 : memref<1x159x64xi32, #tpu.memory_space<hbm>> -> memref<159x64xi32, #tpu.memory_space<hbm>>
      %dma_wait3A_95 = arith.constant 0 : i32
      %dma_wait3A_96 = arith.constant 0 : i32
      %dma_wait3A_97 = tpu.memref_slice %arg4[%add3A, %dma_wait3A_95, %dma_wait3A_96] : memref<32x159x64xi32, #tpu.memory_space<hbm>> -> memref<1x159x64xi32, #tpu.memory_space<hbm>>
      %dma_wait3A_98 = tpu.memref_squeeze %dma_wait3A_97 : memref<1x159x64xi32, #tpu.memory_space<hbm>> -> memref<159x64xi32, #tpu.memory_space<hbm>>
      tpu.wait_dma2 semaphore(%run_scoped3A : memref<!tpu.dma_semaphore, #tpu.memory_space<semaphore_mem>>) src(%dma_wait3A_98 : memref<159x64xi32, #tpu.memory_space<hbm>>) dst(%arg7 : memref<159x64xi32, #tpu.memory_space<vmem>>)
      tpu.yield
    }) : () -> ()
    %barrier3A = arith.constant 0 : index
    tpu.barrier barrier_id(%barrier3A)
    %dma_start3A = arith.constant 0 : i32
    %dma_start3A_3 = arith.constant 0 : i32
    %dma_start3A_4 = tpu.memref_slice %arg3[%add3A, %dma_start3A, %dma_start3A_3] : memref<32x159x64xi32, #tpu.memory_space<hbm>> -> memref<1x1x64xi32, #tpu.memory_space<hbm>>
    %dma_start3A_5 = tpu.memref_squeeze %dma_start3A_4 : memref<1x1x64xi32, #tpu.memory_space<hbm>> -> memref<64xi32, #tpu.memory_space<hbm>>
    %dma_start3A_6 = arith.constant 0 : i32
    %dma_start3A_7 = tpu.memref_slice %arg3[%add3A, %dma_start3A, %dma_start3A_6] : memref<32x159x64xi32, #tpu.memory_space<hbm>> -> memref<1x1x64xi32, #tpu.memory_space<hbm>>
    %dma_start3A_8 = tpu.memref_squeeze %dma_start3A_7 : memref<1x1x64xi32, #tpu.memory_space<hbm>> -> memref<64xi32, #tpu.memory_space<hbm>>
    tpu.enqueue_dma source(%dma_start3A_8 : memref<64xi32, #tpu.memory_space<hbm>>) target(%arg8 : memref<64xi32, #tpu.memory_space<vmem>>) target_semaphore(%arg15 : memref<!tpu.dma_semaphore, #tpu.memory_space<semaphore_mem>>)
    %dma_start3A_9 = arith.constant 1 : i32
    %dma_start3A_10 = arith.constant 0 : i32
    %dma_start3A_11 = tpu.memref_slice %arg3[%add3A, %dma_start3A_9, %dma_start3A_10] : memref<32x159x64xi32, #tpu.memory_space<hbm>> -> memref<1x1x64xi32, #tpu.memory_space<hbm>>
    %dma_start3A_12 = tpu.memref_squeeze %dma_start3A_11 : memref<1x1x64xi32, #tpu.memory_space<hbm>> -> memref<64xi32, #tpu.memory_space<hbm>>
    %dma_start3A_13 = arith.constant 0 : i32
    %dma_start3A_14 = tpu.memref_slice %arg3[%add3A, %dma_start3A_9, %dma_start3A_13] : memref<32x159x64xi32, #tpu.memory_space<hbm>> -> memref<1x1x64xi32, #tpu.memory_space<hbm>>
    %dma_start3A_15 = tpu.memref_squeeze %dma_start3A_14 : memref<1x1x64xi32, #tpu.memory_space<hbm>> -> memref<64xi32, #tpu.memory_space<hbm>>
    tpu.enqueue_dma source(%dma_start3A_15 : memref<64xi32, #tpu.memory_space<hbm>>) target(%arg9 : memref<64xi32, #tpu.memory_space<vmem>>) target_semaphore(%arg16 : memref<!tpu.dma_semaphore, #tpu.memory_space<semaphore_mem>>)
    %dma_start3A_16 = arith.constant 2 : i32
    %dma_start3A_17 = arith.constant 0 : i32
    %dma_start3A_18 = tpu.memref_slice %arg3[%add3A, %dma_start3A_16, %dma_start3A_17] : memref<32x159x64xi32, #tpu.memory_space<hbm>> -> memref<1x1x64xi32, #tpu.memory_space<hbm>>
    %dma_start3A_19 = tpu.memref_squeeze %dma_start3A_18 : memref<1x1x64xi32, #tpu.memory_space<hbm>> -> memref<64xi32, #tpu.memory_space<hbm>>
    %dma_start3A_20 = arith.constant 0 : i32
    %dma_start3A_21 = tpu.memref_slice %arg3[%add3A, %dma_start3A_16, %dma_start3A_20] : memref<32x159x64xi32, #tpu.memory_space<hbm>> -> memref<1x1x64xi32, #tpu.memory_space<hbm>>
    %dma_start3A_22 = tpu.memref_squeeze %dma_start3A_21 : memref<1x1x64xi32, #tpu.memory_space<hbm>> -> memref<64xi32, #tpu.memory_space<hbm>>
    tpu.enqueue_dma source(%dma_start3A_22 : memref<64xi32, #tpu.memory_space<hbm>>) target(%arg10 : memref<64xi32, #tpu.memory_space<vmem>>) target_semaphore(%arg17 : memref<!tpu.dma_semaphore, #tpu.memory_space<semaphore_mem>>)
    %dma_wait3A = arith.constant 0 : i32
    %dma_wait3A_23 = arith.constant 0 : i32
    %dma_wait3A_24 = tpu.memref_slice %arg3[%add3A, %dma_wait3A, %dma_wait3A_23] : memref<32x159x64xi32, #tpu.memory_space<hbm>> -> memref<1x1x64xi32, #tpu.memory_space<hbm>>
    %dma_wait3A_25 = tpu.memref_squeeze %dma_wait3A_24 : memref<1x1x64xi32, #tpu.memory_space<hbm>> -> memref<64xi32, #tpu.memory_space<hbm>>
    %dma_wait3A_26 = arith.constant 0 : i32
    %dma_wait3A_27 = tpu.memref_slice %arg3[%add3A, %dma_wait3A, %dma_wait3A_26] : memref<32x159x64xi32, #tpu.memory_space<hbm>> -> memref<1x1x64xi32, #tpu.memory_space<hbm>>
    %dma_wait3A_28 = tpu.memref_squeeze %dma_wait3A_27 : memref<1x1x64xi32, #tpu.memory_space<hbm>> -> memref<64xi32, #tpu.memory_space<hbm>>
    tpu.wait_dma2 semaphore(%arg15 : memref<!tpu.dma_semaphore, #tpu.memory_space<semaphore_mem>>) src(%dma_wait3A_28 : memref<64xi32, #tpu.memory_space<hbm>>) dst(%arg8 : memref<64xi32, #tpu.memory_space<vmem>>)
    %dma_start3A_29 = arith.constant 0 : i32
    %dma_start3A_30 = arith.constant 0 : i32
    %dma_start3A_31 = tpu.memref_slice %arg2[%dma_start3A_29, %dma_start3A_30] : memref<10000x128xf32, #tpu.memory_space<hbm>> -> memref<10000x128xf32, #tpu.memory_space<hbm>>
    tpu.enqueue_indirect_dma source(%dma_start3A_31 : memref<10000x128xf32, #tpu.memory_space<hbm>>) target(%arg11 : memref<64x128xf32, #tpu.memory_space<vmem>>) offsets(%arg8 : memref<64xi32, #tpu.memory_space<vmem>>) semaphore(%arg18 : memref<!tpu.dma_semaphore, #tpu.memory_space<semaphore_mem>>)
    %dma_wait3A_32 = arith.constant 0 : i32
    %dma_wait3A_33 = arith.constant 0 : i32
    %dma_wait3A_34 = tpu.memref_slice %arg3[%add3A, %dma_wait3A_32, %dma_wait3A_33] : memref<32x159x64xi32, #tpu.memory_space<hbm>> -> memref<1x1x64xi32, #tpu.memory_space<hbm>>
    %dma_wait3A_35 = tpu.memref_squeeze %dma_wait3A_34 : memref<1x1x64xi32, #tpu.memory_space<hbm>> -> memref<64xi32, #tpu.memory_space<hbm>>
    %dma_wait3A_36 = arith.constant 0 : i32
    %dma_wait3A_37 = tpu.memref_slice %arg3[%add3A, %dma_wait3A_32, %dma_wait3A_36] : memref<32x159x64xi32, #tpu.memory_space<hbm>> -> memref<1x1x64xi32, #tpu.memory_space<hbm>>
    %dma_wait3A_38 = tpu.memref_squeeze %dma_wait3A_37 : memref<1x1x64xi32, #tpu.memory_space<hbm>> -> memref<64xi32, #tpu.memory_space<hbm>>
    tpu.wait_dma2 semaphore(%arg16 : memref<!tpu.dma_semaphore, #tpu.memory_space<semaphore_mem>>) src(%dma_wait3A_38 : memref<64xi32, #tpu.memory_space<hbm>>) dst(%arg9 : memref<64xi32, #tpu.memory_space<vmem>>)
    %dma_start3A_39 = arith.constant 0 : i32
    %dma_start3A_40 = arith.constant 0 : i32
    %dma_start3A_41 = tpu.memref_slice %arg2[%dma_start3A_39, %dma_start3A_40] : memref<10000x128xf32, #tpu.memory_space<hbm>> -> memref<10000x128xf32, #tpu.memory_space<hbm>>
    tpu.enqueue_indirect_dma source(%dma_start3A_41 : memref<10000x128xf32, #tpu.memory_space<hbm>>) target(%arg12 : memref<64x128xf32, #tpu.memory_space<vmem>>) offsets(%arg9 : memref<64xi32, #tpu.memory_space<vmem>>) semaphore(%arg19 : memref<!tpu.dma_semaphore, #tpu.memory_space<semaphore_mem>>)
    %dma_wait3A_42 = arith.constant 0 : i32
    %dma_wait3A_43 = arith.constant 0 : i32
    %dma_wait3A_44 = tpu.memref_slice %arg3[%add3A, %dma_wait3A_42, %dma_wait3A_43] : memref<32x159x64xi32, #tpu.memory_space<hbm>> -> memref<1x1x64xi32, #tpu.memory_space<hbm>>
    %dma_wait3A_45 = tpu.memref_squeeze %dma_wait3A_44 : memref<1x1x64xi32, #tpu.memory_space<hbm>> -> memref<64xi32, #tpu.memory_space<hbm>>
    %dma_wait3A_46 = arith.constant 0 : i32
    %dma_wait3A_47 = tpu.memref_slice %arg3[%add3A, %dma_wait3A_42, %dma_wait3A_46] : memref<32x159x64xi32, #tpu.memory_space<hbm>> -> memref<1x1x64xi32, #tpu.memory_space<hbm>>
    %dma_wait3A_48 = tpu.memref_squeeze %dma_wait3A_47 : memref<1x1x64xi32, #tpu.memory_space<hbm>> -> memref<64xi32, #tpu.memory_space<hbm>>
    tpu.wait_dma2 semaphore(%arg17 : memref<!tpu.dma_semaphore, #tpu.memory_space<semaphore_mem>>) src(%dma_wait3A_48 : memref<64xi32, #tpu.memory_space<hbm>>) dst(%arg10 : memref<64xi32, #tpu.memory_space<vmem>>)
    %dma_start3A_49 = arith.constant 0 : i32
    %dma_start3A_50 = arith.constant 0 : i32
    %dma_start3A_51 = tpu.memref_slice %arg2[%dma_start3A_49, %dma_start3A_50] : memref<10000x128xf32, #tpu.memory_space<hbm>> -> memref<10000x128xf32, #tpu.memory_space<hbm>>
    tpu.enqueue_indirect_dma source(%dma_start3A_51 : memref<10000x128xf32, #tpu.memory_space<hbm>>) target(%arg13 : memref<64x128xf32, #tpu.memory_space<vmem>>) offsets(%arg10 : memref<64xi32, #tpu.memory_space<vmem>>) semaphore(%arg20 : memref<!tpu.dma_semaphore, #tpu.memory_space<semaphore_mem>>)
    %scan3A = arith.constant 0 : i32
    %scan3A_52 = arith.constant 0 : i32
    %scan3A_53 = arith.constant 53 : i32
    %scan3A_54 = arith.addi %scan3A_52, %scan3A_53 : i32
    %scan3A_55 = arith.constant 1 : i32
    scf.for %scan3A_83 = %scan3A_52 to %scan3A_54 step %scan3A_55  : i32 {
      %mul3A_84 = arith.constant 3 : i32
      %mul3A_85 = arith.muli %scan3A_83, %mul3A_84 : i32
      %add3A_86 = arith.constant 0 : i32
      %add3A_87 = arith.addi %mul3A_85, %add3A_86 : i32
      %dma_wait3A_88 = arith.constant 0 : i32
      %dma_wait3A_89 = arith.constant 0 : i32
      %dma_wait3A_90 = tpu.memref_slice %arg2[%dma_wait3A_88, %dma_wait3A_89] : memref<10000x128xf32, #tpu.memory_space<hbm>> -> memref<10000x128xf32, #tpu.memory_space<hbm>>
      tpu.wait_indirect_dma semaphore(%arg18 : memref<!tpu.dma_semaphore, #tpu.memory_space<semaphore_mem>>) src(%dma_wait3A_90 : memref<10000x128xf32, #tpu.memory_space<hbm>>) dst(%arg11 : memref<64x128xf32, #tpu.memory_space<vmem>>)
      %add3A_91 = arith.constant 3 : i32
      %add3A_92 = arith.addi %add3A_87, %add3A_91 : i32
      %lt3A = arith.constant 159 : i32
      %lt3A_93 = arith.cmpi slt, %add3A_92, %lt3A : i32
      %convert_element_type3A = arith.extui %lt3A_93 : i1 to i32
      %cond3A = arith.constant 0 : i32
      %cond3A_94 = arith.cmpi ne, %convert_element_type3A, %cond3A : i32
      scf.if %cond3A_94 {
        %add3A_158 = arith.constant 3 : i32
        %add3A_159 = arith.addi %add3A_87, %add3A_158 : i32
        %dma_start3A_160 = arith.constant 0 : i32
        %dma_start3A_161 = tpu.memref_slice %arg3[%add3A, %add3A_159, %dma_start3A_160] : memref<32x159x64xi32, #tpu.memory_space<hbm>> -> memref<1x1x64xi32, #tpu.memory_space<hbm>>
        %dma_start3A_162 = tpu.memref_squeeze %dma_start3A_161 : memref<1x1x64xi32, #tpu.memory_space<hbm>> -> memref<64xi32, #tpu.memory_space<hbm>>
        %dma_start3A_163 = arith.constant 0 : i32
        %dma_start3A_164 = tpu.memref_slice %arg3[%add3A, %add3A_159, %dma_start3A_163] : memref<32x159x64xi32, #tpu.memory_space<hbm>> -> memref<1x1x64xi32, #tpu.memory_space<hbm>>
        %dma_start3A_165 = tpu.memref_squeeze %dma_start3A_164 : memref<1x1x64xi32, #tpu.memory_space<hbm>> -> memref<64xi32, #tpu.memory_space<hbm>>
        tpu.enqueue_dma source(%dma_start3A_165 : memref<64xi32, #tpu.memory_space<hbm>>) target(%arg8 : memref<64xi32, #tpu.memory_space<vmem>>) target_semaphore(%arg15 : memref<!tpu.dma_semaphore, #tpu.memory_space<semaphore_mem>>)
      } else {
      }
      %dma_start3A_95 = arith.constant 0 : i32
      %dma_start3A_96 = tpu.memref_slice %arg7[%add3A_87, %dma_start3A_95] : memref<159x64xi32, #tpu.memory_space<vmem>> -> memref<1x64xi32, #tpu.memory_space<vmem>>
      %dma_start3A_97 = tpu.memref_squeeze %dma_start3A_96 : memref<1x64xi32, #tpu.memory_space<vmem>> -> memref<64xi32, #tpu.memory_space<vmem>>
      %dma_start3A_98 = arith.constant 0 : i32
      %dma_start3A_99 = arith.constant 0 : i32
      %dma_start3A_100 = tpu.memref_slice %arg14[%dma_start3A_98, %dma_start3A_99] : memref<10112x128xf32, #tpu.memory_space<vmem_shared>> -> memref<10112x128xf32, #tpu.memory_space<vmem_shared>>
      tpu.enqueue_indirect_dma source(%arg11 : memref<64x128xf32, #tpu.memory_space<vmem>>) target(%dma_start3A_100 : memref<10112x128xf32, #tpu.memory_space<vmem_shared>>) offsets(%dma_start3A_97 : memref<64xi32, #tpu.memory_space<vmem>>) semaphore(%arg21 : memref<!tpu.dma_semaphore, #tpu.memory_space<semaphore_mem>>) {add = true}
      %add3A_101 = arith.constant 3 : i32
      %add3A_102 = arith.addi %add3A_87, %add3A_101 : i32
      %lt3A_103 = arith.constant 159 : i32
      %lt3A_104 = arith.cmpi slt, %add3A_102, %lt3A_103 : i32
      %convert_element_type3A_105 = arith.extui %lt3A_104 : i1 to i32
      %cond3A_106 = arith.constant 0 : i32
      %cond3A_107 = arith.cmpi ne, %convert_element_type3A_105, %cond3A_106 : i32
      scf.if %cond3A_107 {
        %dma_wait3A_158 = arith.constant 0 : i32
        %dma_wait3A_159 = arith.constant 0 : i32
        %dma_wait3A_160 = tpu.memref_slice %arg7[%dma_wait3A_158, %dma_wait3A_159] : memref<159x64xi32, #tpu.memory_space<vmem>> -> memref<1x64xi32, #tpu.memory_space<vmem>>
        %dma_wait3A_161 = tpu.memref_squeeze %dma_wait3A_160 : memref<1x64xi32, #tpu.memory_space<vmem>> -> memref<64xi32, #tpu.memory_space<vmem>>
        %dma_wait3A_162 = arith.constant 0 : i32
        %dma_wait3A_163 = arith.constant 0 : i32
        %dma_wait3A_164 = tpu.memref_slice %arg14[%dma_wait3A_162, %dma_wait3A_163] : memref<10112x128xf32, #tpu.memory_space<vmem_shared>> -> memref<10112x128xf32, #tpu.memory_space<vmem_shared>>
        tpu.wait_indirect_dma semaphore(%arg21 : memref<!tpu.dma_semaphore, #tpu.memory_space<semaphore_mem>>) src(%arg11 : memref<64x128xf32, #tpu.memory_space<vmem>>) dst(%dma_wait3A_164 : memref<10112x128xf32, #tpu.memory_space<vmem_shared>>)
        %dma_wait3A_165 = arith.constant 0 : i32
        %dma_wait3A_166 = arith.constant 0 : i32
        %dma_wait3A_167 = tpu.memref_slice %arg3[%add3A, %dma_wait3A_165, %dma_wait3A_166] : memref<32x159x64xi32, #tpu.memory_space<hbm>> -> memref<1x1x64xi32, #tpu.memory_space<hbm>>
        %dma_wait3A_168 = tpu.memref_squeeze %dma_wait3A_167 : memref<1x1x64xi32, #tpu.memory_space<hbm>> -> memref<64xi32, #tpu.memory_space<hbm>>
        %dma_wait3A_169 = arith.constant 0 : i32
        %dma_wait3A_170 = tpu.memref_slice %arg3[%add3A, %dma_wait3A_165, %dma_wait3A_169] : memref<32x159x64xi32, #tpu.memory_space<hbm>> -> memref<1x1x64xi32, #tpu.memory_space<hbm>>
        %dma_wait3A_171 = tpu.memref_squeeze %dma_wait3A_170 : memref<1x1x64xi32, #tpu.memory_space<hbm>> -> memref<64xi32, #tpu.memory_space<hbm>>
        tpu.wait_dma2 semaphore(%arg15 : memref<!tpu.dma_semaphore, #tpu.memory_space<semaphore_mem>>) src(%dma_wait3A_171 : memref<64xi32, #tpu.memory_space<hbm>>) dst(%arg8 : memref<64xi32, #tpu.memory_space<vmem>>)
        %dma_start3A_172 = arith.constant 0 : i32
        %dma_start3A_173 = arith.constant 0 : i32
        %dma_start3A_174 = tpu.memref_slice %arg2[%dma_start3A_172, %dma_start3A_173] : memref<10000x128xf32, #tpu.memory_space<hbm>> -> memref<10000x128xf32, #tpu.memory_space<hbm>>
        tpu.enqueue_indirect_dma source(%dma_start3A_174 : memref<10000x128xf32, #tpu.memory_space<hbm>>) target(%arg11 : memref<64x128xf32, #tpu.memory_space<vmem>>) offsets(%arg8 : memref<64xi32, #tpu.memory_space<vmem>>) semaphore(%arg18 : memref<!tpu.dma_semaphore, #tpu.memory_space<semaphore_mem>>)
      } else {
      }
      %add3A_108 = arith.constant 1 : i32
      %add3A_109 = arith.addi %mul3A_85, %add3A_108 : i32
      %dma_wait3A_110 = arith.constant 0 : i32
      %dma_wait3A_111 = arith.constant 0 : i32
      %dma_wait3A_112 = tpu.memref_slice %arg2[%dma_wait3A_110, %dma_wait3A_111] : memref<10000x128xf32, #tpu.memory_space<hbm>> -> memref<10000x128xf32, #tpu.memory_space<hbm>>
      tpu.wait_indirect_dma semaphore(%arg19 : memref<!tpu.dma_semaphore, #tpu.memory_space<semaphore_mem>>) src(%dma_wait3A_112 : memref<10000x128xf32, #tpu.memory_space<hbm>>) dst(%arg12 : memref<64x128xf32, #tpu.memory_space<vmem>>)
      %add3A_113 = arith.constant 3 : i32
      %add3A_114 = arith.addi %add3A_109, %add3A_113 : i32
      %lt3A_115 = arith.constant 159 : i32
      %lt3A_116 = arith.cmpi slt, %add3A_114, %lt3A_115 : i32
      %convert_element_type3A_117 = arith.extui %lt3A_116 : i1 to i32
      %cond3A_118 = arith.constant 0 : i32
      %cond3A_119 = arith.cmpi ne, %convert_element_type3A_117, %cond3A_118 : i32
      scf.if %cond3A_119 {
        %add3A_158 = arith.constant 3 : i32
        %add3A_159 = arith.addi %add3A_109, %add3A_158 : i32
        %dma_start3A_160 = arith.constant 0 : i32
        %dma_start3A_161 = tpu.memref_slice %arg3[%add3A, %add3A_159, %dma_start3A_160] : memref<32x159x64xi32, #tpu.memory_space<hbm>> -> memref<1x1x64xi32, #tpu.memory_space<hbm>>
        %dma_start3A_162 = tpu.memref_squeeze %dma_start3A_161 : memref<1x1x64xi32, #tpu.memory_space<hbm>> -> memref<64xi32, #tpu.memory_space<hbm>>
        %dma_start3A_163 = arith.constant 0 : i32
        %dma_start3A_164 = tpu.memref_slice %arg3[%add3A, %add3A_159, %dma_start3A_163] : memref<32x159x64xi32, #tpu.memory_space<hbm>> -> memref<1x1x64xi32, #tpu.memory_space<hbm>>
        %dma_start3A_165 = tpu.memref_squeeze %dma_start3A_164 : memref<1x1x64xi32, #tpu.memory_space<hbm>> -> memref<64xi32, #tpu.memory_space<hbm>>
        tpu.enqueue_dma source(%dma_start3A_165 : memref<64xi32, #tpu.memory_space<hbm>>) target(%arg9 : memref<64xi32, #tpu.memory_space<vmem>>) target_semaphore(%arg16 : memref<!tpu.dma_semaphore, #tpu.memory_space<semaphore_mem>>)
      } else {
      }
      %dma_start3A_120 = arith.constant 0 : i32
      %dma_start3A_121 = tpu.memref_slice %arg7[%add3A_109, %dma_start3A_120] : memref<159x64xi32, #tpu.memory_space<vmem>> -> memref<1x64xi32, #tpu.memory_space<vmem>>
      %dma_start3A_122 = tpu.memref_squeeze %dma_start3A_121 : memref<1x64xi32, #tpu.memory_space<vmem>> -> memref<64xi32, #tpu.memory_space<vmem>>
      %dma_start3A_123 = arith.constant 0 : i32
      %dma_start3A_124 = arith.constant 0 : i32
      %dma_start3A_125 = tpu.memref_slice %arg14[%dma_start3A_123, %dma_start3A_124] : memref<10112x128xf32, #tpu.memory_space<vmem_shared>> -> memref<10112x128xf32, #tpu.memory_space<vmem_shared>>
      tpu.enqueue_indirect_dma source(%arg12 : memref<64x128xf32, #tpu.memory_space<vmem>>) target(%dma_start3A_125 : memref<10112x128xf32, #tpu.memory_space<vmem_shared>>) offsets(%dma_start3A_122 : memref<64xi32, #tpu.memory_space<vmem>>) semaphore(%arg22 : memref<!tpu.dma_semaphore, #tpu.memory_space<semaphore_mem>>) {add = true}
      %add3A_126 = arith.constant 3 : i32
      %add3A_127 = arith.addi %add3A_109, %add3A_126 : i32
      %lt3A_128 = arith.constant 159 : i32
      %lt3A_129 = arith.cmpi slt, %add3A_127, %lt3A_128 : i32
      %convert_element_type3A_130 = arith.extui %lt3A_129 : i1 to i32
      %cond3A_131 = arith.constant 0 : i32
      %cond3A_132 = arith.cmpi ne, %convert_element_type3A_130, %cond3A_131 : i32
      scf.if %cond3A_132 {
        %dma_wait3A_158 = arith.constant 0 : i32
        %dma_wait3A_159 = arith.constant 0 : i32
        %dma_wait3A_160 = tpu.memref_slice %arg7[%dma_wait3A_158, %dma_wait3A_159] : memref<159x64xi32, #tpu.memory_space<vmem>> -> memref<1x64xi32, #tpu.memory_space<vmem>>
        %dma_wait3A_161 = tpu.memref_squeeze %dma_wait3A_160 : memref<1x64xi32, #tpu.memory_space<vmem>> -> memref<64xi32, #tpu.memory_space<vmem>>
        %dma_wait3A_162 = arith.constant 0 : i32
        %dma_wait3A_163 = arith.constant 0 : i32
        %dma_wait3A_164 = tpu.memref_slice %arg14[%dma_wait3A_162, %dma_wait3A_163] : memref<10112x128xf32, #tpu.memory_space<vmem_shared>> -> memref<10112x128xf32, #tpu.memory_space<vmem_shared>>
        tpu.wait_indirect_dma semaphore(%arg22 : memref<!tpu.dma_semaphore, #tpu.memory_space<semaphore_mem>>) src(%arg12 : memref<64x128xf32, #tpu.memory_space<vmem>>) dst(%dma_wait3A_164 : memref<10112x128xf32, #tpu.memory_space<vmem_shared>>)
        %dma_wait3A_165 = arith.constant 0 : i32
        %dma_wait3A_166 = arith.constant 0 : i32
        %dma_wait3A_167 = tpu.memref_slice %arg3[%add3A, %dma_wait3A_165, %dma_wait3A_166] : memref<32x159x64xi32, #tpu.memory_space<hbm>> -> memref<1x1x64xi32, #tpu.memory_space<hbm>>
        %dma_wait3A_168 = tpu.memref_squeeze %dma_wait3A_167 : memref<1x1x64xi32, #tpu.memory_space<hbm>> -> memref<64xi32, #tpu.memory_space<hbm>>
        %dma_wait3A_169 = arith.constant 0 : i32
        %dma_wait3A_170 = tpu.memref_slice %arg3[%add3A, %dma_wait3A_165, %dma_wait3A_169] : memref<32x159x64xi32, #tpu.memory_space<hbm>> -> memref<1x1x64xi32, #tpu.memory_space<hbm>>
        %dma_wait3A_171 = tpu.memref_squeeze %dma_wait3A_170 : memref<1x1x64xi32, #tpu.memory_space<hbm>> -> memref<64xi32, #tpu.memory_space<hbm>>
        tpu.wait_dma2 semaphore(%arg16 : memref<!tpu.dma_semaphore, #tpu.memory_space<semaphore_mem>>) src(%dma_wait3A_171 : memref<64xi32, #tpu.memory_space<hbm>>) dst(%arg9 : memref<64xi32, #tpu.memory_space<vmem>>)
        %dma_start3A_172 = arith.constant 0 : i32
        %dma_start3A_173 = arith.constant 0 : i32
        %dma_start3A_174 = tpu.memref_slice %arg2[%dma_start3A_172, %dma_start3A_173] : memref<10000x128xf32, #tpu.memory_space<hbm>> -> memref<10000x128xf32, #tpu.memory_space<hbm>>
        tpu.enqueue_indirect_dma source(%dma_start3A_174 : memref<10000x128xf32, #tpu.memory_space<hbm>>) target(%arg12 : memref<64x128xf32, #tpu.memory_space<vmem>>) offsets(%arg9 : memref<64xi32, #tpu.memory_space<vmem>>) semaphore(%arg19 : memref<!tpu.dma_semaphore, #tpu.memory_space<semaphore_mem>>)
      } else {
      }
      %add3A_133 = arith.constant 2 : i32
      %add3A_134 = arith.addi %mul3A_85, %add3A_133 : i32
      %dma_wait3A_135 = arith.constant 0 : i32
      %dma_wait3A_136 = arith.constant 0 : i32
      %dma_wait3A_137 = tpu.memref_slice %arg2[%dma_wait3A_135, %dma_wait3A_136] : memref<10000x128xf32, #tpu.memory_space<hbm>> -> memref<10000x128xf32, #tpu.memory_space<hbm>>
      tpu.wait_indirect_dma semaphore(%arg20 : memref<!tpu.dma_semaphore, #tpu.memory_space<semaphore_mem>>) src(%dma_wait3A_137 : memref<10000x128xf32, #tpu.memory_space<hbm>>) dst(%arg13 : memref<64x128xf32, #tpu.memory_space<vmem>>)
      %add3A_138 = arith.constant 3 : i32
      %add3A_139 = arith.addi %add3A_134, %add3A_138 : i32
      %lt3A_140 = arith.constant 159 : i32
      %lt3A_141 = arith.cmpi slt, %add3A_139, %lt3A_140 : i32
      %convert_element_type3A_142 = arith.extui %lt3A_141 : i1 to i32
      %cond3A_143 = arith.constant 0 : i32
      %cond3A_144 = arith.cmpi ne, %convert_element_type3A_142, %cond3A_143 : i32
      scf.if %cond3A_144 {
        %add3A_158 = arith.constant 3 : i32
        %add3A_159 = arith.addi %add3A_134, %add3A_158 : i32
        %dma_start3A_160 = arith.constant 0 : i32
        %dma_start3A_161 = tpu.memref_slice %arg3[%add3A, %add3A_159, %dma_start3A_160] : memref<32x159x64xi32, #tpu.memory_space<hbm>> -> memref<1x1x64xi32, #tpu.memory_space<hbm>>
        %dma_start3A_162 = tpu.memref_squeeze %dma_start3A_161 : memref<1x1x64xi32, #tpu.memory_space<hbm>> -> memref<64xi32, #tpu.memory_space<hbm>>
        %dma_start3A_163 = arith.constant 0 : i32
        %dma_start3A_164 = tpu.memref_slice %arg3[%add3A, %add3A_159, %dma_start3A_163] : memref<32x159x64xi32, #tpu.memory_space<hbm>> -> memref<1x1x64xi32, #tpu.memory_space<hbm>>
        %dma_start3A_165 = tpu.memref_squeeze %dma_start3A_164 : memref<1x1x64xi32, #tpu.memory_space<hbm>> -> memref<64xi32, #tpu.memory_space<hbm>>
        tpu.enqueue_dma source(%dma_start3A_165 : memref<64xi32, #tpu.memory_space<hbm>>) target(%arg10 : memref<64xi32, #tpu.memory_space<vmem>>) target_semaphore(%arg17 : memref<!tpu.dma_semaphore, #tpu.memory_space<semaphore_mem>>)
      } else {
      }
      %dma_start3A_145 = arith.constant 0 : i32
      %dma_start3A_146 = tpu.memref_slice %arg7[%add3A_134, %dma_start3A_145] : memref<159x64xi32, #tpu.memory_space<vmem>> -> memref<1x64xi32, #tpu.memory_space<vmem>>
      %dma_start3A_147 = tpu.memref_squeeze %dma_start3A_146 : memref<1x64xi32, #tpu.memory_space<vmem>> -> memref<64xi32, #tpu.memory_space<vmem>>
      %dma_start3A_148 = arith.constant 0 : i32
      %dma_start3A_149 = arith.constant 0 : i32
      %dma_start3A_150 = tpu.memref_slice %arg14[%dma_start3A_148, %dma_start3A_149] : memref<10112x128xf32, #tpu.memory_space<vmem_shared>> -> memref<10112x128xf32, #tpu.memory_space<vmem_shared>>
      tpu.enqueue_indirect_dma source(%arg13 : memref<64x128xf32, #tpu.memory_space<vmem>>) target(%dma_start3A_150 : memref<10112x128xf32, #tpu.memory_space<vmem_shared>>) offsets(%dma_start3A_147 : memref<64xi32, #tpu.memory_space<vmem>>) semaphore(%arg23 : memref<!tpu.dma_semaphore, #tpu.memory_space<semaphore_mem>>) {add = true}
      %add3A_151 = arith.constant 3 : i32
      %add3A_152 = arith.addi %add3A_134, %add3A_151 : i32
      %lt3A_153 = arith.constant 159 : i32
      %lt3A_154 = arith.cmpi slt, %add3A_152, %lt3A_153 : i32
      %convert_element_type3A_155 = arith.extui %lt3A_154 : i1 to i32
      %cond3A_156 = arith.constant 0 : i32
      %cond3A_157 = arith.cmpi ne, %convert_element_type3A_155, %cond3A_156 : i32
      scf.if %cond3A_157 {
        %dma_wait3A_158 = arith.constant 0 : i32
        %dma_wait3A_159 = arith.constant 0 : i32
        %dma_wait3A_160 = tpu.memref_slice %arg7[%dma_wait3A_158, %dma_wait3A_159] : memref<159x64xi32, #tpu.memory_space<vmem>> -> memref<1x64xi32, #tpu.memory_space<vmem>>
        %dma_wait3A_161 = tpu.memref_squeeze %dma_wait3A_160 : memref<1x64xi32, #tpu.memory_space<vmem>> -> memref<64xi32, #tpu.memory_space<vmem>>
        %dma_wait3A_162 = arith.constant 0 : i32
        %dma_wait3A_163 = arith.constant 0 : i32
        %dma_wait3A_164 = tpu.memref_slice %arg14[%dma_wait3A_162, %dma_wait3A_163] : memref<10112x128xf32, #tpu.memory_space<vmem_shared>> -> memref<10112x128xf32, #tpu.memory_space<vmem_shared>>
        tpu.wait_indirect_dma semaphore(%arg23 : memref<!tpu.dma_semaphore, #tpu.memory_space<semaphore_mem>>) src(%arg13 : memref<64x128xf32, #tpu.memory_space<vmem>>) dst(%dma_wait3A_164 : memref<10112x128xf32, #tpu.memory_space<vmem_shared>>)
        %dma_wait3A_165 = arith.constant 0 : i32
        %dma_wait3A_166 = arith.constant 0 : i32
        %dma_wait3A_167 = tpu.memref_slice %arg3[%add3A, %dma_wait3A_165, %dma_wait3A_166] : memref<32x159x64xi32, #tpu.memory_space<hbm>> -> memref<1x1x64xi32, #tpu.memory_space<hbm>>
        %dma_wait3A_168 = tpu.memref_squeeze %dma_wait3A_167 : memref<1x1x64xi32, #tpu.memory_space<hbm>> -> memref<64xi32, #tpu.memory_space<hbm>>
        %dma_wait3A_169 = arith.constant 0 : i32
        %dma_wait3A_170 = tpu.memref_slice %arg3[%add3A, %dma_wait3A_165, %dma_wait3A_169] : memref<32x159x64xi32, #tpu.memory_space<hbm>> -> memref<1x1x64xi32, #tpu.memory_space<hbm>>
        %dma_wait3A_171 = tpu.memref_squeeze %dma_wait3A_170 : memref<1x1x64xi32, #tpu.memory_space<hbm>> -> memref<64xi32, #tpu.memory_space<hbm>>
        tpu.wait_dma2 semaphore(%arg17 : memref<!tpu.dma_semaphore, #tpu.memory_space<semaphore_mem>>) src(%dma_wait3A_171 : memref<64xi32, #tpu.memory_space<hbm>>) dst(%arg10 : memref<64xi32, #tpu.memory_space<vmem>>)
        %dma_start3A_172 = arith.constant 0 : i32
        %dma_start3A_173 = arith.constant 0 : i32
        %dma_start3A_174 = tpu.memref_slice %arg2[%dma_start3A_172, %dma_start3A_173] : memref<10000x128xf32, #tpu.memory_space<hbm>> -> memref<10000x128xf32, #tpu.memory_space<hbm>>
        tpu.enqueue_indirect_dma source(%dma_start3A_174 : memref<10000x128xf32, #tpu.memory_space<hbm>>) target(%arg13 : memref<64x128xf32, #tpu.memory_space<vmem>>) offsets(%arg10 : memref<64xi32, #tpu.memory_space<vmem>>) semaphore(%arg20 : memref<!tpu.dma_semaphore, #tpu.memory_space<semaphore_mem>>)
      } else {
      }
    }
    %scan3A_56 = arith.constant 53 : i32
    %dma_wait3A_57 = arith.constant 0 : i32
    %dma_wait3A_58 = arith.constant 0 : i32
    %dma_wait3A_59 = tpu.memref_slice %arg7[%dma_wait3A_57, %dma_wait3A_58] : memref<159x64xi32, #tpu.memory_space<vmem>> -> memref<1x64xi32, #tpu.memory_space<vmem>>
    %dma_wait3A_60 = tpu.memref_squeeze %dma_wait3A_59 : memref<1x64xi32, #tpu.memory_space<vmem>> -> memref<64xi32, #tpu.memory_space<vmem>>
    %dma_wait3A_61 = arith.constant 0 : i32
    %dma_wait3A_62 = arith.constant 0 : i32
    %dma_wait3A_63 = tpu.memref_slice %arg14[%dma_wait3A_61, %dma_wait3A_62] : memref<10112x128xf32, #tpu.memory_space<vmem_shared>> -> memref<10112x128xf32, #tpu.memory_space<vmem_shared>>
    tpu.wait_indirect_dma semaphore(%arg21 : memref<!tpu.dma_semaphore, #tpu.memory_space<semaphore_mem>>) src(%arg11 : memref<64x128xf32, #tpu.memory_space<vmem>>) dst(%dma_wait3A_63 : memref<10112x128xf32, #tpu.memory_space<vmem_shared>>)
    %dma_wait3A_64 = arith.constant 0 : i32
    %dma_wait3A_65 = arith.constant 0 : i32
    %dma_wait3A_66 = tpu.memref_slice %arg7[%dma_wait3A_64, %dma_wait3A_65] : memref<159x64xi32, #tpu.memory_space<vmem>> -> memref<1x64xi32, #tpu.memory_space<vmem>>
    %dma_wait3A_67 = tpu.memref_squeeze %dma_wait3A_66 : memref<1x64xi32, #tpu.memory_space<vmem>> -> memref<64xi32, #tpu.memory_space<vmem>>
    %dma_wait3A_68 = arith.constant 0 : i32
    %dma_wait3A_69 = arith.constant 0 : i32
    %dma_wait3A_70 = tpu.memref_slice %arg14[%dma_wait3A_68, %dma_wait3A_69] : memref<10112x128xf32, #tpu.memory_space<vmem_shared>> -> memref<10112x128xf32, #tpu.memory_space<vmem_shared>>
    tpu.wait_indirect_dma semaphore(%arg22 : memref<!tpu.dma_semaphore, #tpu.memory_space<semaphore_mem>>) src(%arg12 : memref<64x128xf32, #tpu.memory_space<vmem>>) dst(%dma_wait3A_70 : memref<10112x128xf32, #tpu.memory_space<vmem_shared>>)
    %dma_wait3A_71 = arith.constant 0 : i32
    %dma_wait3A_72 = arith.constant 0 : i32
    %dma_wait3A_73 = tpu.memref_slice %arg7[%dma_wait3A_71, %dma_wait3A_72] : memref<159x64xi32, #tpu.memory_space<vmem>> -> memref<1x64xi32, #tpu.memory_space<vmem>>
    %dma_wait3A_74 = tpu.memref_squeeze %dma_wait3A_73 : memref<1x64xi32, #tpu.memory_space<vmem>> -> memref<64xi32, #tpu.memory_space<vmem>>
    %dma_wait3A_75 = arith.constant 0 : i32
    %dma_wait3A_76 = arith.constant 0 : i32
    %dma_wait3A_77 = tpu.memref_slice %arg14[%dma_wait3A_75, %dma_wait3A_76] : memref<10112x128xf32, #tpu.memory_space<vmem_shared>> -> memref<10112x128xf32, #tpu.memory_space<vmem_shared>>
    tpu.wait_indirect_dma semaphore(%arg23 : memref<!tpu.dma_semaphore, #tpu.memory_space<semaphore_mem>>) src(%arg13 : memref<64x128xf32, #tpu.memory_space<vmem>>) dst(%dma_wait3A_77 : memref<10112x128xf32, #tpu.memory_space<vmem_shared>>)
    %barrier3A_78 = arith.constant 0 : index
    tpu.barrier barrier_id(%barrier3A_78)
    %mul3A_79 = arith.constant 632 : i32
    %mul3A_80 = arith.muli %arg1, %mul3A_79 : i32
    %mul3A_81 = arith.constant 632 : i32
    %mul3A_82 = arith.muli %arg1, %mul3A_81 : i32
    "tpu.region"() ({
      %run_scoped3A = tpu.sem_alloc : memref<!tpu.dma_semaphore, #tpu.memory_space<semaphore_mem>>
      %dma_start3A_83 = arith.constant 0 : i32
      %dma_start3A_84 = tpu.memref_slice %arg6[%arg0, %mul3A_82, %dma_start3A_83] : memref<2x10112x128xf32, #tpu.memory_space<hbm>> -> memref<1x632x128xf32, #tpu.memory_space<hbm>>
      %dma_start3A_85 = tpu.memref_squeeze %dma_start3A_84 : memref<1x632x128xf32, #tpu.memory_space<hbm>> -> memref<632x128xf32, #tpu.memory_space<hbm>>
      %dma_start3A_86 = arith.constant 0 : i32
      %dma_start3A_87 = tpu.memref_slice %arg14[%mul3A_80, %dma_start3A_86] : memref<10112x128xf32, #tpu.memory_space<vmem_shared>> -> memref<632x128xf32, #tpu.memory_space<vmem_shared>>
      tpu.enqueue_dma source(%dma_start3A_87 : memref<632x128xf32, #tpu.memory_space<vmem_shared>>) target(%dma_start3A_85 : memref<632x128xf32, #tpu.memory_space<hbm>>) target_semaphore(%run_scoped3A : memref<!tpu.dma_semaphore, #tpu.memory_space<semaphore_mem>>)
      %dma_wait3A_88 = arith.constant 0 : i32
      %dma_wait3A_89 = tpu.memref_slice %arg6[%arg0, %mul3A_82, %dma_wait3A_88] : memref<2x10112x128xf32, #tpu.memory_space<hbm>> -> memref<1x632x128xf32, #tpu.memory_space<hbm>>
      %dma_wait3A_90 = tpu.memref_squeeze %dma_wait3A_89 : memref<1x632x128xf32, #tpu.memory_space<hbm>> -> memref<632x128xf32, #tpu.memory_space<hbm>>
      %dma_wait3A_91 = arith.constant 0 : i32
      %dma_wait3A_92 = tpu.memref_slice %arg14[%mul3A_80, %dma_wait3A_91] : memref<10112x128xf32, #tpu.memory_space<vmem_shared>> -> memref<632x128xf32, #tpu.memory_space<vmem_shared>>
      tpu.wait_dma2 semaphore(%run_scoped3A : memref<!tpu.dma_semaphore, #tpu.memory_space<semaphore_mem>>) src(%dma_wait3A_92 : memref<632x128xf32, #tpu.memory_space<vmem_shared>>) dst(%dma_wait3A_90 : memref<632x128xf32, #tpu.memory_space<hbm>>)
      tpu.yield
    }) : () -> ()
    return
  }
}

#map = affine_map<(d0, d1) -> (0, 0)>
#map1 = affine_map<(d0, d1) -> (0, 0, 0)>
module attributes {stable_mosaic.version = 14 : i64} {
  func.func @sc_edge_aggregate(%arg0: i32, %arg1: i32, %arg2: memref<10000x128xf32, #tpu.memory_space<hbm>>, %arg3: memref<32x159x64xi32, #tpu.memory_space<hbm>>, %arg4: memref<32x159x64xi32, #tpu.memory_space<hbm>>, %arg5: memref<632x128xf32, #tpu.memory_space<hbm>>, %arg6: memref<2x10112x128xf32, #tpu.memory_space<hbm>>, %arg7: memref<159x64xi32, #tpu.memory_space<vmem>>, %arg8: memref<64xi32, #tpu.memory_space<vmem>>, %arg9: memref<64xi32, #tpu.memory_space<vmem>>, %arg10: memref<64xi32, #tpu.memory_space<vmem>>, %arg11: memref<64x128xf32, #tpu.memory_space<vmem>>, %arg12: memref<64x128xf32, #tpu.memory_space<vmem>>, %arg13: memref<64x128xf32, #tpu.memory_space<vmem>>, %arg14: memref<10112x128xf32, #tpu.memory_space<vmem_shared>>, %arg15: memref<!tpu.dma_semaphore, #tpu.memory_space<semaphore_mem>>, %arg16: memref<!tpu.dma_semaphore, #tpu.memory_space<semaphore_mem>>, %arg17: memref<!tpu.dma_semaphore, #tpu.memory_space<semaphore_mem>>, %arg18: memref<!tpu.dma_semaphore, #tpu.memory_space<semaphore_mem>>, %arg19: memref<!tpu.dma_semaphore, #tpu.memory_space<semaphore_mem>>, %arg20: memref<!tpu.dma_semaphore, #tpu.memory_space<semaphore_mem>>, %arg21: memref<!tpu.dma_semaphore, #tpu.memory_space<semaphore_mem>>, %arg22: memref<!tpu.dma_semaphore, #tpu.memory_space<semaphore_mem>>, %arg23: memref<!tpu.dma_semaphore, #tpu.memory_space<semaphore_mem>>) attributes {dimension_semantics = [#tpu.dimension_semantics<core_parallel>, #tpu.dimension_semantics<subcore_parallel>], iteration_bounds = array<i64: 2, 16>, scalar_prefetch = 0 : i64, scratch_operands = 17 : i64, tpu.core_type = #tpu.core_type<sc_vector_subcore>, window_params = [{transform_indices = #map}, {transform_indices = #map1}, {transform_indices = #map1}, {transform_indices = #map}, {transform_indices = #map1}]} {
    %mul3A = arith.constant 2 : i32
    %mul3A_0 = arith.muli %arg1, %mul3A : i32
    %add3A = arith.addi %mul3A_0, %arg0 : i32
    %mul3A_1 = arith.constant 632 : i32
    %mul3A_2 = arith.muli %arg1, %mul3A_1 : i32
    "tpu.region"() ({
      %run_scoped3A = tpu.sem_alloc : memref<!tpu.dma_semaphore, #tpu.memory_space<semaphore_mem>>
      %dma_start3A_83 = arith.constant 0 : i32
      %dma_start3A_84 = tpu.memref_slice %arg14[%mul3A_2, %dma_start3A_83] : memref<10112x128xf32, #tpu.memory_space<vmem_shared>> -> memref<632x128xf32, #tpu.memory_space<vmem_shared>>
      tpu.enqueue_dma source(%arg5 : memref<632x128xf32, #tpu.memory_space<hbm>>) target(%dma_start3A_84 : memref<632x128xf32, #tpu.memory_space<vmem_shared>>) target_semaphore(%run_scoped3A : memref<!tpu.dma_semaphore, #tpu.memory_space<semaphore_mem>>)
      %dma_wait3A_85 = arith.constant 0 : i32
      %dma_wait3A_86 = tpu.memref_slice %arg14[%mul3A_2, %dma_wait3A_85] : memref<10112x128xf32, #tpu.memory_space<vmem_shared>> -> memref<632x128xf32, #tpu.memory_space<vmem_shared>>
      tpu.wait_dma2 semaphore(%run_scoped3A : memref<!tpu.dma_semaphore, #tpu.memory_space<semaphore_mem>>) src(%arg5 : memref<632x128xf32, #tpu.memory_space<hbm>>) dst(%dma_wait3A_86 : memref<632x128xf32, #tpu.memory_space<vmem_shared>>)
      tpu.yield
    }) : () -> ()
    "tpu.region"() ({
      %run_scoped3A = tpu.sem_alloc : memref<!tpu.dma_semaphore, #tpu.memory_space<semaphore_mem>>
      %dma_start3A_83 = arith.constant 0 : i32
      %dma_start3A_84 = arith.constant 0 : i32
      %dma_start3A_85 = tpu.memref_slice %arg4[%add3A, %dma_start3A_83, %dma_start3A_84] : memref<32x159x64xi32, #tpu.memory_space<hbm>> -> memref<1x159x64xi32, #tpu.memory_space<hbm>>
      %dma_start3A_86 = tpu.memref_squeeze %dma_start3A_85 : memref<1x159x64xi32, #tpu.memory_space<hbm>> -> memref<159x64xi32, #tpu.memory_space<hbm>>
      %dma_start3A_87 = arith.constant 0 : i32
      %dma_start3A_88 = arith.constant 0 : i32
      %dma_start3A_89 = tpu.memref_slice %arg4[%add3A, %dma_start3A_87, %dma_start3A_88] : memref<32x159x64xi32, #tpu.memory_space<hbm>> -> memref<1x159x64xi32, #tpu.memory_space<hbm>>
      %dma_start3A_90 = tpu.memref_squeeze %dma_start3A_89 : memref<1x159x64xi32, #tpu.memory_space<hbm>> -> memref<159x64xi32, #tpu.memory_space<hbm>>
      tpu.enqueue_dma source(%dma_start3A_90 : memref<159x64xi32, #tpu.memory_space<hbm>>) target(%arg7 : memref<159x64xi32, #tpu.memory_space<vmem>>) target_semaphore(%run_scoped3A : memref<!tpu.dma_semaphore, #tpu.memory_space<semaphore_mem>>)
      %dma_wait3A_91 = arith.constant 0 : i32
      %dma_wait3A_92 = arith.constant 0 : i32
      %dma_wait3A_93 = tpu.memref_slice %arg4[%add3A, %dma_wait3A_91, %dma_wait3A_92] : memref<32x159x64xi32, #tpu.memory_space<hbm>> -> memref<1x159x64xi32, #tpu.memory_space<hbm>>
      %dma_wait3A_94 = tpu.memref_squeeze %dma_wait3A_93 : memref<1x159x64xi32, #tpu.memory_space<hbm>> -> memref<159x64xi32, #tpu.memory_space<hbm>>
      %dma_wait3A_95 = arith.constant 0 : i32
      %dma_wait3A_96 = arith.constant 0 : i32
      %dma_wait3A_97 = tpu.memref_slice %arg4[%add3A, %dma_wait3A_95, %dma_wait3A_96] : memref<32x159x64xi32, #tpu.memory_space<hbm>> -> memref<1x159x64xi32, #tpu.memory_space<hbm>>
      %dma_wait3A_98 = tpu.memref_squeeze %dma_wait3A_97 : memref<1x159x64xi32, #tpu.memory_space<hbm>> -> memref<159x64xi32, #tpu.memory_space<hbm>>
      tpu.wait_dma2 semaphore(%run_scoped3A : memref<!tpu.dma_semaphore, #tpu.memory_space<semaphore_mem>>) src(%dma_wait3A_98 : memref<159x64xi32, #tpu.memory_space<hbm>>) dst(%arg7 : memref<159x64xi32, #tpu.memory_space<vmem>>)
      tpu.yield
    }) : () -> ()
    %barrier3A = arith.constant 0 : index
    tpu.barrier barrier_id(%barrier3A)
    %dma_start3A = arith.constant 0 : i32
    %dma_start3A_3 = arith.constant 0 : i32
    %dma_start3A_4 = tpu.memref_slice %arg3[%add3A, %dma_start3A, %dma_start3A_3] : memref<32x159x64xi32, #tpu.memory_space<hbm>> -> memref<1x1x64xi32, #tpu.memory_space<hbm>>
    %dma_start3A_5 = tpu.memref_squeeze %dma_start3A_4 : memref<1x1x64xi32, #tpu.memory_space<hbm>> -> memref<64xi32, #tpu.memory_space<hbm>>
    %dma_start3A_6 = arith.constant 0 : i32
    %dma_start3A_7 = tpu.memref_slice %arg3[%add3A, %dma_start3A, %dma_start3A_6] : memref<32x159x64xi32, #tpu.memory_space<hbm>> -> memref<1x1x64xi32, #tpu.memory_space<hbm>>
    %dma_start3A_8 = tpu.memref_squeeze %dma_start3A_7 : memref<1x1x64xi32, #tpu.memory_space<hbm>> -> memref<64xi32, #tpu.memory_space<hbm>>
    tpu.enqueue_dma source(%dma_start3A_8 : memref<64xi32, #tpu.memory_space<hbm>>) target(%arg8 : memref<64xi32, #tpu.memory_space<vmem>>) target_semaphore(%arg15 : memref<!tpu.dma_semaphore, #tpu.memory_space<semaphore_mem>>)
    %dma_start3A_9 = arith.constant 1 : i32
    %dma_start3A_10 = arith.constant 0 : i32
    %dma_start3A_11 = tpu.memref_slice %arg3[%add3A, %dma_start3A_9, %dma_start3A_10] : memref<32x159x64xi32, #tpu.memory_space<hbm>> -> memref<1x1x64xi32, #tpu.memory_space<hbm>>
    %dma_start3A_12 = tpu.memref_squeeze %dma_start3A_11 : memref<1x1x64xi32, #tpu.memory_space<hbm>> -> memref<64xi32, #tpu.memory_space<hbm>>
    %dma_start3A_13 = arith.constant 0 : i32
    %dma_start3A_14 = tpu.memref_slice %arg3[%add3A, %dma_start3A_9, %dma_start3A_13] : memref<32x159x64xi32, #tpu.memory_space<hbm>> -> memref<1x1x64xi32, #tpu.memory_space<hbm>>
    %dma_start3A_15 = tpu.memref_squeeze %dma_start3A_14 : memref<1x1x64xi32, #tpu.memory_space<hbm>> -> memref<64xi32, #tpu.memory_space<hbm>>
    tpu.enqueue_dma source(%dma_start3A_15 : memref<64xi32, #tpu.memory_space<hbm>>) target(%arg9 : memref<64xi32, #tpu.memory_space<vmem>>) target_semaphore(%arg16 : memref<!tpu.dma_semaphore, #tpu.memory_space<semaphore_mem>>)
    %dma_start3A_16 = arith.constant 2 : i32
    %dma_start3A_17 = arith.constant 0 : i32
    %dma_start3A_18 = tpu.memref_slice %arg3[%add3A, %dma_start3A_16, %dma_start3A_17] : memref<32x159x64xi32, #tpu.memory_space<hbm>> -> memref<1x1x64xi32, #tpu.memory_space<hbm>>
    %dma_start3A_19 = tpu.memref_squeeze %dma_start3A_18 : memref<1x1x64xi32, #tpu.memory_space<hbm>> -> memref<64xi32, #tpu.memory_space<hbm>>
    %dma_start3A_20 = arith.constant 0 : i32
    %dma_start3A_21 = tpu.memref_slice %arg3[%add3A, %dma_start3A_16, %dma_start3A_20] : memref<32x159x64xi32, #tpu.memory_space<hbm>> -> memref<1x1x64xi32, #tpu.memory_space<hbm>>
    %dma_start3A_22 = tpu.memref_squeeze %dma_start3A_21 : memref<1x1x64xi32, #tpu.memory_space<hbm>> -> memref<64xi32, #tpu.memory_space<hbm>>
    tpu.enqueue_dma source(%dma_start3A_22 : memref<64xi32, #tpu.memory_space<hbm>>) target(%arg10 : memref<64xi32, #tpu.memory_space<vmem>>) target_semaphore(%arg17 : memref<!tpu.dma_semaphore, #tpu.memory_space<semaphore_mem>>)
    %dma_wait3A = arith.constant 0 : i32
    %dma_wait3A_23 = arith.constant 0 : i32
    %dma_wait3A_24 = tpu.memref_slice %arg3[%add3A, %dma_wait3A, %dma_wait3A_23] : memref<32x159x64xi32, #tpu.memory_space<hbm>> -> memref<1x1x64xi32, #tpu.memory_space<hbm>>
    %dma_wait3A_25 = tpu.memref_squeeze %dma_wait3A_24 : memref<1x1x64xi32, #tpu.memory_space<hbm>> -> memref<64xi32, #tpu.memory_space<hbm>>
    %dma_wait3A_26 = arith.constant 0 : i32
    %dma_wait3A_27 = tpu.memref_slice %arg3[%add3A, %dma_wait3A, %dma_wait3A_26] : memref<32x159x64xi32, #tpu.memory_space<hbm>> -> memref<1x1x64xi32, #tpu.memory_space<hbm>>
    %dma_wait3A_28 = tpu.memref_squeeze %dma_wait3A_27 : memref<1x1x64xi32, #tpu.memory_space<hbm>> -> memref<64xi32, #tpu.memory_space<hbm>>
    tpu.wait_dma2 semaphore(%arg15 : memref<!tpu.dma_semaphore, #tpu.memory_space<semaphore_mem>>) src(%dma_wait3A_28 : memref<64xi32, #tpu.memory_space<hbm>>) dst(%arg8 : memref<64xi32, #tpu.memory_space<vmem>>)
    %dma_start3A_29 = arith.constant 0 : i32
    %dma_start3A_30 = arith.constant 0 : i32
    %dma_start3A_31 = tpu.memref_slice %arg2[%dma_start3A_29, %dma_start3A_30] : memref<10000x128xf32, #tpu.memory_space<hbm>> -> memref<10000x128xf32, #tpu.memory_space<hbm>>
    tpu.enqueue_indirect_dma source(%dma_start3A_31 : memref<10000x128xf32, #tpu.memory_space<hbm>>) target(%arg11 : memref<64x128xf32, #tpu.memory_space<vmem>>) offsets(%arg8 : memref<64xi32, #tpu.memory_space<vmem>>) semaphore(%arg18 : memref<!tpu.dma_semaphore, #tpu.memory_space<semaphore_mem>>)
    %dma_wait3A_32 = arith.constant 0 : i32
    %dma_wait3A_33 = arith.constant 0 : i32
    %dma_wait3A_34 = tpu.memref_slice %arg3[%add3A, %dma_wait3A_32, %dma_wait3A_33] : memref<32x159x64xi32, #tpu.memory_space<hbm>> -> memref<1x1x64xi32, #tpu.memory_space<hbm>>
    %dma_wait3A_35 = tpu.memref_squeeze %dma_wait3A_34 : memref<1x1x64xi32, #tpu.memory_space<hbm>> -> memref<64xi32, #tpu.memory_space<hbm>>
    %dma_wait3A_36 = arith.constant 0 : i32
    %dma_wait3A_37 = tpu.memref_slice %arg3[%add3A, %dma_wait3A_32, %dma_wait3A_36] : memref<32x159x64xi32, #tpu.memory_space<hbm>> -> memref<1x1x64xi32, #tpu.memory_space<hbm>>
    %dma_wait3A_38 = tpu.memref_squeeze %dma_wait3A_37 : memref<1x1x64xi32, #tpu.memory_space<hbm>> -> memref<64xi32, #tpu.memory_space<hbm>>
    tpu.wait_dma2 semaphore(%arg16 : memref<!tpu.dma_semaphore, #tpu.memory_space<semaphore_mem>>) src(%dma_wait3A_38 : memref<64xi32, #tpu.memory_space<hbm>>) dst(%arg9 : memref<64xi32, #tpu.memory_space<vmem>>)
    %dma_start3A_39 = arith.constant 0 : i32
    %dma_start3A_40 = arith.constant 0 : i32
    %dma_start3A_41 = tpu.memref_slice %arg2[%dma_start3A_39, %dma_start3A_40] : memref<10000x128xf32, #tpu.memory_space<hbm>> -> memref<10000x128xf32, #tpu.memory_space<hbm>>
    tpu.enqueue_indirect_dma source(%dma_start3A_41 : memref<10000x128xf32, #tpu.memory_space<hbm>>) target(%arg12 : memref<64x128xf32, #tpu.memory_space<vmem>>) offsets(%arg9 : memref<64xi32, #tpu.memory_space<vmem>>) semaphore(%arg19 : memref<!tpu.dma_semaphore, #tpu.memory_space<semaphore_mem>>)
    %dma_wait3A_42 = arith.constant 0 : i32
    %dma_wait3A_43 = arith.constant 0 : i32
    %dma_wait3A_44 = tpu.memref_slice %arg3[%add3A, %dma_wait3A_42, %dma_wait3A_43] : memref<32x159x64xi32, #tpu.memory_space<hbm>> -> memref<1x1x64xi32, #tpu.memory_space<hbm>>
    %dma_wait3A_45 = tpu.memref_squeeze %dma_wait3A_44 : memref<1x1x64xi32, #tpu.memory_space<hbm>> -> memref<64xi32, #tpu.memory_space<hbm>>
    %dma_wait3A_46 = arith.constant 0 : i32
    %dma_wait3A_47 = tpu.memref_slice %arg3[%add3A, %dma_wait3A_42, %dma_wait3A_46] : memref<32x159x64xi32, #tpu.memory_space<hbm>> -> memref<1x1x64xi32, #tpu.memory_space<hbm>>
    %dma_wait3A_48 = tpu.memref_squeeze %dma_wait3A_47 : memref<1x1x64xi32, #tpu.memory_space<hbm>> -> memref<64xi32, #tpu.memory_space<hbm>>
    tpu.wait_dma2 semaphore(%arg17 : memref<!tpu.dma_semaphore, #tpu.memory_space<semaphore_mem>>) src(%dma_wait3A_48 : memref<64xi32, #tpu.memory_space<hbm>>) dst(%arg10 : memref<64xi32, #tpu.memory_space<vmem>>)
    %dma_start3A_49 = arith.constant 0 : i32
    %dma_start3A_50 = arith.constant 0 : i32
    %dma_start3A_51 = tpu.memref_slice %arg2[%dma_start3A_49, %dma_start3A_50] : memref<10000x128xf32, #tpu.memory_space<hbm>> -> memref<10000x128xf32, #tpu.memory_space<hbm>>
    tpu.enqueue_indirect_dma source(%dma_start3A_51 : memref<10000x128xf32, #tpu.memory_space<hbm>>) target(%arg13 : memref<64x128xf32, #tpu.memory_space<vmem>>) offsets(%arg10 : memref<64xi32, #tpu.memory_space<vmem>>) semaphore(%arg20 : memref<!tpu.dma_semaphore, #tpu.memory_space<semaphore_mem>>)
    %scan3A = arith.constant 0 : i32
    %scan3A_52 = arith.constant 0 : i32
    %scan3A_53 = arith.constant 53 : i32
    %scan3A_54 = arith.addi %scan3A_52, %scan3A_53 : i32
    %scan3A_55 = arith.constant 1 : i32
    scf.for %scan3A_83 = %scan3A_52 to %scan3A_54 step %scan3A_55  : i32 {
      %mul3A_84 = arith.constant 3 : i32
      %mul3A_85 = arith.muli %scan3A_83, %mul3A_84 : i32
      %add3A_86 = arith.constant 0 : i32
      %add3A_87 = arith.addi %mul3A_85, %add3A_86 : i32
      %dma_wait3A_88 = arith.constant 0 : i32
      %dma_wait3A_89 = arith.constant 0 : i32
      %dma_wait3A_90 = tpu.memref_slice %arg2[%dma_wait3A_88, %dma_wait3A_89] : memref<10000x128xf32, #tpu.memory_space<hbm>> -> memref<10000x128xf32, #tpu.memory_space<hbm>>
      tpu.wait_indirect_dma semaphore(%arg18 : memref<!tpu.dma_semaphore, #tpu.memory_space<semaphore_mem>>) src(%dma_wait3A_90 : memref<10000x128xf32, #tpu.memory_space<hbm>>) dst(%arg11 : memref<64x128xf32, #tpu.memory_space<vmem>>)
      %add3A_91 = arith.constant 3 : i32
      %add3A_92 = arith.addi %add3A_87, %add3A_91 : i32
      %lt3A = arith.constant 159 : i32
      %lt3A_93 = arith.cmpi slt, %add3A_92, %lt3A : i32
      %convert_element_type3A = arith.extui %lt3A_93 : i1 to i32
      %cond3A = arith.constant 0 : i32
      %cond3A_94 = arith.cmpi ne, %convert_element_type3A, %cond3A : i32
      scf.if %cond3A_94 {
        %add3A_158 = arith.constant 3 : i32
        %add3A_159 = arith.addi %add3A_87, %add3A_158 : i32
        %dma_start3A_160 = arith.constant 0 : i32
        %dma_start3A_161 = tpu.memref_slice %arg3[%add3A, %add3A_159, %dma_start3A_160] : memref<32x159x64xi32, #tpu.memory_space<hbm>> -> memref<1x1x64xi32, #tpu.memory_space<hbm>>
        %dma_start3A_162 = tpu.memref_squeeze %dma_start3A_161 : memref<1x1x64xi32, #tpu.memory_space<hbm>> -> memref<64xi32, #tpu.memory_space<hbm>>
        %dma_start3A_163 = arith.constant 0 : i32
        %dma_start3A_164 = tpu.memref_slice %arg3[%add3A, %add3A_159, %dma_start3A_163] : memref<32x159x64xi32, #tpu.memory_space<hbm>> -> memref<1x1x64xi32, #tpu.memory_space<hbm>>
        %dma_start3A_165 = tpu.memref_squeeze %dma_start3A_164 : memref<1x1x64xi32, #tpu.memory_space<hbm>> -> memref<64xi32, #tpu.memory_space<hbm>>
        tpu.enqueue_dma source(%dma_start3A_165 : memref<64xi32, #tpu.memory_space<hbm>>) target(%arg8 : memref<64xi32, #tpu.memory_space<vmem>>) target_semaphore(%arg15 : memref<!tpu.dma_semaphore, #tpu.memory_space<semaphore_mem>>)
      } else {
      }
      %dma_start3A_95 = arith.constant 0 : i32
      %dma_start3A_96 = tpu.memref_slice %arg7[%add3A_87, %dma_start3A_95] : memref<159x64xi32, #tpu.memory_space<vmem>> -> memref<1x64xi32, #tpu.memory_space<vmem>>
      %dma_start3A_97 = tpu.memref_squeeze %dma_start3A_96 : memref<1x64xi32, #tpu.memory_space<vmem>> -> memref<64xi32, #tpu.memory_space<vmem>>
      %dma_start3A_98 = arith.constant 0 : i32
      %dma_start3A_99 = arith.constant 0 : i32
      %dma_start3A_100 = tpu.memref_slice %arg14[%dma_start3A_98, %dma_start3A_99] : memref<10112x128xf32, #tpu.memory_space<vmem_shared>> -> memref<10112x128xf32, #tpu.memory_space<vmem_shared>>
      tpu.enqueue_indirect_dma source(%arg11 : memref<64x128xf32, #tpu.memory_space<vmem>>) target(%dma_start3A_100 : memref<10112x128xf32, #tpu.memory_space<vmem_shared>>) offsets(%dma_start3A_97 : memref<64xi32, #tpu.memory_space<vmem>>) semaphore(%arg21 : memref<!tpu.dma_semaphore, #tpu.memory_space<semaphore_mem>>) {add = true}
      %add3A_101 = arith.constant 3 : i32
      %add3A_102 = arith.addi %add3A_87, %add3A_101 : i32
      %lt3A_103 = arith.constant 159 : i32
      %lt3A_104 = arith.cmpi slt, %add3A_102, %lt3A_103 : i32
      %convert_element_type3A_105 = arith.extui %lt3A_104 : i1 to i32
      %cond3A_106 = arith.constant 0 : i32
      %cond3A_107 = arith.cmpi ne, %convert_element_type3A_105, %cond3A_106 : i32
      scf.if %cond3A_107 {
        %dma_wait3A_158 = arith.constant 0 : i32
        %dma_wait3A_159 = arith.constant 0 : i32
        %dma_wait3A_160 = tpu.memref_slice %arg7[%dma_wait3A_158, %dma_wait3A_159] : memref<159x64xi32, #tpu.memory_space<vmem>> -> memref<1x64xi32, #tpu.memory_space<vmem>>
        %dma_wait3A_161 = tpu.memref_squeeze %dma_wait3A_160 : memref<1x64xi32, #tpu.memory_space<vmem>> -> memref<64xi32, #tpu.memory_space<vmem>>
        %dma_wait3A_162 = arith.constant 0 : i32
        %dma_wait3A_163 = arith.constant 0 : i32
        %dma_wait3A_164 = tpu.memref_slice %arg14[%dma_wait3A_162, %dma_wait3A_163] : memref<10112x128xf32, #tpu.memory_space<vmem_shared>> -> memref<10112x128xf32, #tpu.memory_space<vmem_shared>>
        tpu.wait_indirect_dma semaphore(%arg21 : memref<!tpu.dma_semaphore, #tpu.memory_space<semaphore_mem>>) src(%arg11 : memref<64x128xf32, #tpu.memory_space<vmem>>) dst(%dma_wait3A_164 : memref<10112x128xf32, #tpu.memory_space<vmem_shared>>)
        %dma_wait3A_165 = arith.constant 0 : i32
        %dma_wait3A_166 = arith.constant 0 : i32
        %dma_wait3A_167 = tpu.memref_slice %arg3[%add3A, %dma_wait3A_165, %dma_wait3A_166] : memref<32x159x64xi32, #tpu.memory_space<hbm>> -> memref<1x1x64xi32, #tpu.memory_space<hbm>>
        %dma_wait3A_168 = tpu.memref_squeeze %dma_wait3A_167 : memref<1x1x64xi32, #tpu.memory_space<hbm>> -> memref<64xi32, #tpu.memory_space<hbm>>
        %dma_wait3A_169 = arith.constant 0 : i32
        %dma_wait3A_170 = tpu.memref_slice %arg3[%add3A, %dma_wait3A_165, %dma_wait3A_169] : memref<32x159x64xi32, #tpu.memory_space<hbm>> -> memref<1x1x64xi32, #tpu.memory_space<hbm>>
        %dma_wait3A_171 = tpu.memref_squeeze %dma_wait3A_170 : memref<1x1x64xi32, #tpu.memory_space<hbm>> -> memref<64xi32, #tpu.memory_space<hbm>>
        tpu.wait_dma2 semaphore(%arg15 : memref<!tpu.dma_semaphore, #tpu.memory_space<semaphore_mem>>) src(%dma_wait3A_171 : memref<64xi32, #tpu.memory_space<hbm>>) dst(%arg8 : memref<64xi32, #tpu.memory_space<vmem>>)
        %dma_start3A_172 = arith.constant 0 : i32
        %dma_start3A_173 = arith.constant 0 : i32
        %dma_start3A_174 = tpu.memref_slice %arg2[%dma_start3A_172, %dma_start3A_173] : memref<10000x128xf32, #tpu.memory_space<hbm>> -> memref<10000x128xf32, #tpu.memory_space<hbm>>
        tpu.enqueue_indirect_dma source(%dma_start3A_174 : memref<10000x128xf32, #tpu.memory_space<hbm>>) target(%arg11 : memref<64x128xf32, #tpu.memory_space<vmem>>) offsets(%arg8 : memref<64xi32, #tpu.memory_space<vmem>>) semaphore(%arg18 : memref<!tpu.dma_semaphore, #tpu.memory_space<semaphore_mem>>)
      } else {
      }
      %add3A_108 = arith.constant 1 : i32
      %add3A_109 = arith.addi %mul3A_85, %add3A_108 : i32
      %dma_wait3A_110 = arith.constant 0 : i32
      %dma_wait3A_111 = arith.constant 0 : i32
      %dma_wait3A_112 = tpu.memref_slice %arg2[%dma_wait3A_110, %dma_wait3A_111] : memref<10000x128xf32, #tpu.memory_space<hbm>> -> memref<10000x128xf32, #tpu.memory_space<hbm>>
      tpu.wait_indirect_dma semaphore(%arg19 : memref<!tpu.dma_semaphore, #tpu.memory_space<semaphore_mem>>) src(%dma_wait3A_112 : memref<10000x128xf32, #tpu.memory_space<hbm>>) dst(%arg12 : memref<64x128xf32, #tpu.memory_space<vmem>>)
      %add3A_113 = arith.constant 3 : i32
      %add3A_114 = arith.addi %add3A_109, %add3A_113 : i32
      %lt3A_115 = arith.constant 159 : i32
      %lt3A_116 = arith.cmpi slt, %add3A_114, %lt3A_115 : i32
      %convert_element_type3A_117 = arith.extui %lt3A_116 : i1 to i32
      %cond3A_118 = arith.constant 0 : i32
      %cond3A_119 = arith.cmpi ne, %convert_element_type3A_117, %cond3A_118 : i32
      scf.if %cond3A_119 {
        %add3A_158 = arith.constant 3 : i32
        %add3A_159 = arith.addi %add3A_109, %add3A_158 : i32
        %dma_start3A_160 = arith.constant 0 : i32
        %dma_start3A_161 = tpu.memref_slice %arg3[%add3A, %add3A_159, %dma_start3A_160] : memref<32x159x64xi32, #tpu.memory_space<hbm>> -> memref<1x1x64xi32, #tpu.memory_space<hbm>>
        %dma_start3A_162 = tpu.memref_squeeze %dma_start3A_161 : memref<1x1x64xi32, #tpu.memory_space<hbm>> -> memref<64xi32, #tpu.memory_space<hbm>>
        %dma_start3A_163 = arith.constant 0 : i32
        %dma_start3A_164 = tpu.memref_slice %arg3[%add3A, %add3A_159, %dma_start3A_163] : memref<32x159x64xi32, #tpu.memory_space<hbm>> -> memref<1x1x64xi32, #tpu.memory_space<hbm>>
        %dma_start3A_165 = tpu.memref_squeeze %dma_start3A_164 : memref<1x1x64xi32, #tpu.memory_space<hbm>> -> memref<64xi32, #tpu.memory_space<hbm>>
        tpu.enqueue_dma source(%dma_start3A_165 : memref<64xi32, #tpu.memory_space<hbm>>) target(%arg9 : memref<64xi32, #tpu.memory_space<vmem>>) target_semaphore(%arg16 : memref<!tpu.dma_semaphore, #tpu.memory_space<semaphore_mem>>)
      } else {
      }
      %dma_start3A_120 = arith.constant 0 : i32
      %dma_start3A_121 = tpu.memref_slice %arg7[%add3A_109, %dma_start3A_120] : memref<159x64xi32, #tpu.memory_space<vmem>> -> memref<1x64xi32, #tpu.memory_space<vmem>>
      %dma_start3A_122 = tpu.memref_squeeze %dma_start3A_121 : memref<1x64xi32, #tpu.memory_space<vmem>> -> memref<64xi32, #tpu.memory_space<vmem>>
      %dma_start3A_123 = arith.constant 0 : i32
      %dma_start3A_124 = arith.constant 0 : i32
      %dma_start3A_125 = tpu.memref_slice %arg14[%dma_start3A_123, %dma_start3A_124] : memref<10112x128xf32, #tpu.memory_space<vmem_shared>> -> memref<10112x128xf32, #tpu.memory_space<vmem_shared>>
      tpu.enqueue_indirect_dma source(%arg12 : memref<64x128xf32, #tpu.memory_space<vmem>>) target(%dma_start3A_125 : memref<10112x128xf32, #tpu.memory_space<vmem_shared>>) offsets(%dma_start3A_122 : memref<64xi32, #tpu.memory_space<vmem>>) semaphore(%arg22 : memref<!tpu.dma_semaphore, #tpu.memory_space<semaphore_mem>>) {add = true}
      %add3A_126 = arith.constant 3 : i32
      %add3A_127 = arith.addi %add3A_109, %add3A_126 : i32
      %lt3A_128 = arith.constant 159 : i32
      %lt3A_129 = arith.cmpi slt, %add3A_127, %lt3A_128 : i32
      %convert_element_type3A_130 = arith.extui %lt3A_129 : i1 to i32
      %cond3A_131 = arith.constant 0 : i32
      %cond3A_132 = arith.cmpi ne, %convert_element_type3A_130, %cond3A_131 : i32
      scf.if %cond3A_132 {
        %dma_wait3A_158 = arith.constant 0 : i32
        %dma_wait3A_159 = arith.constant 0 : i32
        %dma_wait3A_160 = tpu.memref_slice %arg7[%dma_wait3A_158, %dma_wait3A_159] : memref<159x64xi32, #tpu.memory_space<vmem>> -> memref<1x64xi32, #tpu.memory_space<vmem>>
        %dma_wait3A_161 = tpu.memref_squeeze %dma_wait3A_160 : memref<1x64xi32, #tpu.memory_space<vmem>> -> memref<64xi32, #tpu.memory_space<vmem>>
        %dma_wait3A_162 = arith.constant 0 : i32
        %dma_wait3A_163 = arith.constant 0 : i32
        %dma_wait3A_164 = tpu.memref_slice %arg14[%dma_wait3A_162, %dma_wait3A_163] : memref<10112x128xf32, #tpu.memory_space<vmem_shared>> -> memref<10112x128xf32, #tpu.memory_space<vmem_shared>>
        tpu.wait_indirect_dma semaphore(%arg22 : memref<!tpu.dma_semaphore, #tpu.memory_space<semaphore_mem>>) src(%arg12 : memref<64x128xf32, #tpu.memory_space<vmem>>) dst(%dma_wait3A_164 : memref<10112x128xf32, #tpu.memory_space<vmem_shared>>)
        %dma_wait3A_165 = arith.constant 0 : i32
        %dma_wait3A_166 = arith.constant 0 : i32
        %dma_wait3A_167 = tpu.memref_slice %arg3[%add3A, %dma_wait3A_165, %dma_wait3A_166] : memref<32x159x64xi32, #tpu.memory_space<hbm>> -> memref<1x1x64xi32, #tpu.memory_space<hbm>>
        %dma_wait3A_168 = tpu.memref_squeeze %dma_wait3A_167 : memref<1x1x64xi32, #tpu.memory_space<hbm>> -> memref<64xi32, #tpu.memory_space<hbm>>
        %dma_wait3A_169 = arith.constant 0 : i32
        %dma_wait3A_170 = tpu.memref_slice %arg3[%add3A, %dma_wait3A_165, %dma_wait3A_169] : memref<32x159x64xi32, #tpu.memory_space<hbm>> -> memref<1x1x64xi32, #tpu.memory_space<hbm>>
        %dma_wait3A_171 = tpu.memref_squeeze %dma_wait3A_170 : memref<1x1x64xi32, #tpu.memory_space<hbm>> -> memref<64xi32, #tpu.memory_space<hbm>>
        tpu.wait_dma2 semaphore(%arg16 : memref<!tpu.dma_semaphore, #tpu.memory_space<semaphore_mem>>) src(%dma_wait3A_171 : memref<64xi32, #tpu.memory_space<hbm>>) dst(%arg9 : memref<64xi32, #tpu.memory_space<vmem>>)
        %dma_start3A_172 = arith.constant 0 : i32
        %dma_start3A_173 = arith.constant 0 : i32
        %dma_start3A_174 = tpu.memref_slice %arg2[%dma_start3A_172, %dma_start3A_173] : memref<10000x128xf32, #tpu.memory_space<hbm>> -> memref<10000x128xf32, #tpu.memory_space<hbm>>
        tpu.enqueue_indirect_dma source(%dma_start3A_174 : memref<10000x128xf32, #tpu.memory_space<hbm>>) target(%arg12 : memref<64x128xf32, #tpu.memory_space<vmem>>) offsets(%arg9 : memref<64xi32, #tpu.memory_space<vmem>>) semaphore(%arg19 : memref<!tpu.dma_semaphore, #tpu.memory_space<semaphore_mem>>)
      } else {
      }
      %add3A_133 = arith.constant 2 : i32
      %add3A_134 = arith.addi %mul3A_85, %add3A_133 : i32
      %dma_wait3A_135 = arith.constant 0 : i32
      %dma_wait3A_136 = arith.constant 0 : i32
      %dma_wait3A_137 = tpu.memref_slice %arg2[%dma_wait3A_135, %dma_wait3A_136] : memref<10000x128xf32, #tpu.memory_space<hbm>> -> memref<10000x128xf32, #tpu.memory_space<hbm>>
      tpu.wait_indirect_dma semaphore(%arg20 : memref<!tpu.dma_semaphore, #tpu.memory_space<semaphore_mem>>) src(%dma_wait3A_137 : memref<10000x128xf32, #tpu.memory_space<hbm>>) dst(%arg13 : memref<64x128xf32, #tpu.memory_space<vmem>>)
      %add3A_138 = arith.constant 3 : i32
      %add3A_139 = arith.addi %add3A_134, %add3A_138 : i32
      %lt3A_140 = arith.constant 159 : i32
      %lt3A_141 = arith.cmpi slt, %add3A_139, %lt3A_140 : i32
      %convert_element_type3A_142 = arith.extui %lt3A_141 : i1 to i32
      %cond3A_143 = arith.constant 0 : i32
      %cond3A_144 = arith.cmpi ne, %convert_element_type3A_142, %cond3A_143 : i32
      scf.if %cond3A_144 {
        %add3A_158 = arith.constant 3 : i32
        %add3A_159 = arith.addi %add3A_134, %add3A_158 : i32
        %dma_start3A_160 = arith.constant 0 : i32
        %dma_start3A_161 = tpu.memref_slice %arg3[%add3A, %add3A_159, %dma_start3A_160] : memref<32x159x64xi32, #tpu.memory_space<hbm>> -> memref<1x1x64xi32, #tpu.memory_space<hbm>>
        %dma_start3A_162 = tpu.memref_squeeze %dma_start3A_161 : memref<1x1x64xi32, #tpu.memory_space<hbm>> -> memref<64xi32, #tpu.memory_space<hbm>>
        %dma_start3A_163 = arith.constant 0 : i32
        %dma_start3A_164 = tpu.memref_slice %arg3[%add3A, %add3A_159, %dma_start3A_163] : memref<32x159x64xi32, #tpu.memory_space<hbm>> -> memref<1x1x64xi32, #tpu.memory_space<hbm>>
        %dma_start3A_165 = tpu.memref_squeeze %dma_start3A_164 : memref<1x1x64xi32, #tpu.memory_space<hbm>> -> memref<64xi32, #tpu.memory_space<hbm>>
        tpu.enqueue_dma source(%dma_start3A_165 : memref<64xi32, #tpu.memory_space<hbm>>) target(%arg10 : memref<64xi32, #tpu.memory_space<vmem>>) target_semaphore(%arg17 : memref<!tpu.dma_semaphore, #tpu.memory_space<semaphore_mem>>)
      } else {
      }
      %dma_start3A_145 = arith.constant 0 : i32
      %dma_start3A_146 = tpu.memref_slice %arg7[%add3A_134, %dma_start3A_145] : memref<159x64xi32, #tpu.memory_space<vmem>> -> memref<1x64xi32, #tpu.memory_space<vmem>>
      %dma_start3A_147 = tpu.memref_squeeze %dma_start3A_146 : memref<1x64xi32, #tpu.memory_space<vmem>> -> memref<64xi32, #tpu.memory_space<vmem>>
      %dma_start3A_148 = arith.constant 0 : i32
      %dma_start3A_149 = arith.constant 0 : i32
      %dma_start3A_150 = tpu.memref_slice %arg14[%dma_start3A_148, %dma_start3A_149] : memref<10112x128xf32, #tpu.memory_space<vmem_shared>> -> memref<10112x128xf32, #tpu.memory_space<vmem_shared>>
      tpu.enqueue_indirect_dma source(%arg13 : memref<64x128xf32, #tpu.memory_space<vmem>>) target(%dma_start3A_150 : memref<10112x128xf32, #tpu.memory_space<vmem_shared>>) offsets(%dma_start3A_147 : memref<64xi32, #tpu.memory_space<vmem>>) semaphore(%arg23 : memref<!tpu.dma_semaphore, #tpu.memory_space<semaphore_mem>>) {add = true}
      %add3A_151 = arith.constant 3 : i32
      %add3A_152 = arith.addi %add3A_134, %add3A_151 : i32
      %lt3A_153 = arith.constant 159 : i32
      %lt3A_154 = arith.cmpi slt, %add3A_152, %lt3A_153 : i32
      %convert_element_type3A_155 = arith.extui %lt3A_154 : i1 to i32
      %cond3A_156 = arith.constant 0 : i32
      %cond3A_157 = arith.cmpi ne, %convert_element_type3A_155, %cond3A_156 : i32
      scf.if %cond3A_157 {
        %dma_wait3A_158 = arith.constant 0 : i32
        %dma_wait3A_159 = arith.constant 0 : i32
        %dma_wait3A_160 = tpu.memref_slice %arg7[%dma_wait3A_158, %dma_wait3A_159] : memref<159x64xi32, #tpu.memory_space<vmem>> -> memref<1x64xi32, #tpu.memory_space<vmem>>
        %dma_wait3A_161 = tpu.memref_squeeze %dma_wait3A_160 : memref<1x64xi32, #tpu.memory_space<vmem>> -> memref<64xi32, #tpu.memory_space<vmem>>
        %dma_wait3A_162 = arith.constant 0 : i32
        %dma_wait3A_163 = arith.constant 0 : i32
        %dma_wait3A_164 = tpu.memref_slice %arg14[%dma_wait3A_162, %dma_wait3A_163] : memref<10112x128xf32, #tpu.memory_space<vmem_shared>> -> memref<10112x128xf32, #tpu.memory_space<vmem_shared>>
        tpu.wait_indirect_dma semaphore(%arg23 : memref<!tpu.dma_semaphore, #tpu.memory_space<semaphore_mem>>) src(%arg13 : memref<64x128xf32, #tpu.memory_space<vmem>>) dst(%dma_wait3A_164 : memref<10112x128xf32, #tpu.memory_space<vmem_shared>>)
        %dma_wait3A_165 = arith.constant 0 : i32
        %dma_wait3A_166 = arith.constant 0 : i32
        %dma_wait3A_167 = tpu.memref_slice %arg3[%add3A, %dma_wait3A_165, %dma_wait3A_166] : memref<32x159x64xi32, #tpu.memory_space<hbm>> -> memref<1x1x64xi32, #tpu.memory_space<hbm>>
        %dma_wait3A_168 = tpu.memref_squeeze %dma_wait3A_167 : memref<1x1x64xi32, #tpu.memory_space<hbm>> -> memref<64xi32, #tpu.memory_space<hbm>>
        %dma_wait3A_169 = arith.constant 0 : i32
        %dma_wait3A_170 = tpu.memref_slice %arg3[%add3A, %dma_wait3A_165, %dma_wait3A_169] : memref<32x159x64xi32, #tpu.memory_space<hbm>> -> memref<1x1x64xi32, #tpu.memory_space<hbm>>
        %dma_wait3A_171 = tpu.memref_squeeze %dma_wait3A_170 : memref<1x1x64xi32, #tpu.memory_space<hbm>> -> memref<64xi32, #tpu.memory_space<hbm>>
        tpu.wait_dma2 semaphore(%arg17 : memref<!tpu.dma_semaphore, #tpu.memory_space<semaphore_mem>>) src(%dma_wait3A_171 : memref<64xi32, #tpu.memory_space<hbm>>) dst(%arg10 : memref<64xi32, #tpu.memory_space<vmem>>)
        %dma_start3A_172 = arith.constant 0 : i32
        %dma_start3A_173 = arith.constant 0 : i32
        %dma_start3A_174 = tpu.memref_slice %arg2[%dma_start3A_172, %dma_start3A_173] : memref<10000x128xf32, #tpu.memory_space<hbm>> -> memref<10000x128xf32, #tpu.memory_space<hbm>>
        tpu.enqueue_indirect_dma source(%dma_start3A_174 : memref<10000x128xf32, #tpu.memory_space<hbm>>) target(%arg13 : memref<64x128xf32, #tpu.memory_space<vmem>>) offsets(%arg10 : memref<64xi32, #tpu.memory_space<vmem>>) semaphore(%arg20 : memref<!tpu.dma_semaphore, #tpu.memory_space<semaphore_mem>>)
      } else {
      }
    }
    %scan3A_56 = arith.constant 53 : i32
    %dma_wait3A_57 = arith.constant 0 : i32
    %dma_wait3A_58 = arith.constant 0 : i32
    %dma_wait3A_59 = tpu.memref_slice %arg7[%dma_wait3A_57, %dma_wait3A_58] : memref<159x64xi32, #tpu.memory_space<vmem>> -> memref<1x64xi32, #tpu.memory_space<vmem>>
    %dma_wait3A_60 = tpu.memref_squeeze %dma_wait3A_59 : memref<1x64xi32, #tpu.memory_space<vmem>> -> memref<64xi32, #tpu.memory_space<vmem>>
    %dma_wait3A_61 = arith.constant 0 : i32
    %dma_wait3A_62 = arith.constant 0 : i32
    %dma_wait3A_63 = tpu.memref_slice %arg14[%dma_wait3A_61, %dma_wait3A_62] : memref<10112x128xf32, #tpu.memory_space<vmem_shared>> -> memref<10112x128xf32, #tpu.memory_space<vmem_shared>>
    tpu.wait_indirect_dma semaphore(%arg21 : memref<!tpu.dma_semaphore, #tpu.memory_space<semaphore_mem>>) src(%arg11 : memref<64x128xf32, #tpu.memory_space<vmem>>) dst(%dma_wait3A_63 : memref<10112x128xf32, #tpu.memory_space<vmem_shared>>)
    %dma_wait3A_64 = arith.constant 0 : i32
    %dma_wait3A_65 = arith.constant 0 : i32
    %dma_wait3A_66 = tpu.memref_slice %arg7[%dma_wait3A_64, %dma_wait3A_65] : memref<159x64xi32, #tpu.memory_space<vmem>> -> memref<1x64xi32, #tpu.memory_space<vmem>>
    %dma_wait3A_67 = tpu.memref_squeeze %dma_wait3A_66 : memref<1x64xi32, #tpu.memory_space<vmem>> -> memref<64xi32, #tpu.memory_space<vmem>>
    %dma_wait3A_68 = arith.constant 0 : i32
    %dma_wait3A_69 = arith.constant 0 : i32
    %dma_wait3A_70 = tpu.memref_slice %arg14[%dma_wait3A_68, %dma_wait3A_69] : memref<10112x128xf32, #tpu.memory_space<vmem_shared>> -> memref<10112x128xf32, #tpu.memory_space<vmem_shared>>
    tpu.wait_indirect_dma semaphore(%arg22 : memref<!tpu.dma_semaphore, #tpu.memory_space<semaphore_mem>>) src(%arg12 : memref<64x128xf32, #tpu.memory_space<vmem>>) dst(%dma_wait3A_70 : memref<10112x128xf32, #tpu.memory_space<vmem_shared>>)
    %dma_wait3A_71 = arith.constant 0 : i32
    %dma_wait3A_72 = arith.constant 0 : i32
    %dma_wait3A_73 = tpu.memref_slice %arg7[%dma_wait3A_71, %dma_wait3A_72] : memref<159x64xi32, #tpu.memory_space<vmem>> -> memref<1x64xi32, #tpu.memory_space<vmem>>
    %dma_wait3A_74 = tpu.memref_squeeze %dma_wait3A_73 : memref<1x64xi32, #tpu.memory_space<vmem>> -> memref<64xi32, #tpu.memory_space<vmem>>
    %dma_wait3A_75 = arith.constant 0 : i32
    %dma_wait3A_76 = arith.constant 0 : i32
    %dma_wait3A_77 = tpu.memref_slice %arg14[%dma_wait3A_75, %dma_wait3A_76] : memref<10112x128xf32, #tpu.memory_space<vmem_shared>> -> memref<10112x128xf32, #tpu.memory_space<vmem_shared>>
    tpu.wait_indirect_dma semaphore(%arg23 : memref<!tpu.dma_semaphore, #tpu.memory_space<semaphore_mem>>) src(%arg13 : memref<64x128xf32, #tpu.memory_space<vmem>>) dst(%dma_wait3A_77 : memref<10112x128xf32, #tpu.memory_space<vmem_shared>>)
    %barrier3A_78 = arith.constant 0 : index
    tpu.barrier barrier_id(%barrier3A_78)
    %mul3A_79 = arith.constant 632 : i32
    %mul3A_80 = arith.muli %arg1, %mul3A_79 : i32
    %mul3A_81 = arith.constant 632 : i32
    %mul3A_82 = arith.muli %arg1, %mul3A_81 : i32
    "tpu.region"() ({
      %run_scoped3A = tpu.sem_alloc : memref<!tpu.dma_semaphore, #tpu.memory_space<semaphore_mem>>
      %dma_start3A_83 = arith.constant 0 : i32
      %dma_start3A_84 = tpu.memref_slice %arg6[%arg0, %mul3A_82, %dma_start3A_83] : memref<2x10112x128xf32, #tpu.memory_space<hbm>> -> memref<1x632x128xf32, #tpu.memory_space<hbm>>
      %dma_start3A_85 = tpu.memref_squeeze %dma_start3A_84 : memref<1x632x128xf32, #tpu.memory_space<hbm>> -> memref<632x128xf32, #tpu.memory_space<hbm>>
      %dma_start3A_86 = arith.constant 0 : i32
      %dma_start3A_87 = tpu.memref_slice %arg14[%mul3A_80, %dma_start3A_86] : memref<10112x128xf32, #tpu.memory_space<vmem_shared>> -> memref<632x128xf32, #tpu.memory_space<vmem_shared>>
      tpu.enqueue_dma source(%dma_start3A_87 : memref<632x128xf32, #tpu.memory_space<vmem_shared>>) target(%dma_start3A_85 : memref<632x128xf32, #tpu.memory_space<hbm>>) target_semaphore(%run_scoped3A : memref<!tpu.dma_semaphore, #tpu.memory_space<semaphore_mem>>)
      %dma_wait3A_88 = arith.constant 0 : i32
      %dma_wait3A_89 = tpu.memref_slice %arg6[%arg0, %mul3A_82, %dma_wait3A_88] : memref<2x10112x128xf32, #tpu.memory_space<hbm>> -> memref<1x632x128xf32, #tpu.memory_space<hbm>>
      %dma_wait3A_90 = tpu.memref_squeeze %dma_wait3A_89 : memref<1x632x128xf32, #tpu.memory_space<hbm>> -> memref<632x128xf32, #tpu.memory_space<hbm>>
      %dma_wait3A_91 = arith.constant 0 : i32
      %dma_wait3A_92 = tpu.memref_slice %arg14[%mul3A_80, %dma_wait3A_91] : memref<10112x128xf32, #tpu.memory_space<vmem_shared>> -> memref<632x128xf32, #tpu.memory_space<vmem_shared>>
      tpu.wait_dma2 semaphore(%run_scoped3A : memref<!tpu.dma_semaphore, #tpu.memory_space<semaphore_mem>>) src(%dma_wait3A_92 : memref<632x128xf32, #tpu.memory_space<vmem_shared>>) dst(%dma_wait3A_90 : memref<632x128xf32, #tpu.memory_space<hbm>>)
      tpu.yield
    }) : () -> ()
    return
  }
}

module attributes {stable_mosaic.version = 14 : i64} {
  func.func @tc_combine(%arg0: memref<10000x128xf32, #tpu.memory_space<vmem>>, %arg1: memref<2x10112x128xf32, #tpu.memory_space<vmem>>, %arg2: memref<10000x1xi32, #tpu.memory_space<vmem>>, %arg3: memref<128x128xf32, #tpu.memory_space<vmem>>, %arg4: memref<1x128xf32, #tpu.memory_space<vmem>>, %arg5: memref<128x128xf32, #tpu.memory_space<vmem>>, %arg6: memref<1x128xf32, #tpu.memory_space<vmem>>, %arg7: memref<128x128xf32, #tpu.memory_space<vmem>>, %arg8: memref<1x128xf32, #tpu.memory_space<vmem>>, %arg9: memref<1x128xf32, #tpu.memory_space<vmem>>, %arg10: memref<1x128xf32, #tpu.memory_space<vmem>>, %arg11: memref<10000x128xf32, #tpu.memory_space<vmem>>) attributes {dimension_semantics = [], scalar_prefetch = 0 : i64, scratch_operands = 0 : i64, tpu.core_type = #tpu.core_type<tc>} {
    %get3A = arith.constant 0 : index
    %get3A_0 = arith.constant 0 : index
    %get3A_1 = vector.load %arg0[%get3A, %get3A_0] : memref<10000x128xf32, #tpu.memory_space<vmem>>, vector<10000x128xf32>
    %get3A_2 = arith.constant 0 : index
    %get3A_3 = arith.constant 0 : index
    %get3A_4 = arith.constant 0 : index
    %get3A_5 = vector.load %arg1[%get3A_2, %get3A_3, %get3A_4] : memref<2x10112x128xf32, #tpu.memory_space<vmem>>, vector<1x10000x128xf32>
    %get3A_6 = vector.shape_cast %get3A_5 : vector<1x10000x128xf32> to vector<10000x128xf32>
    %get3A_7 = arith.constant 1 : index
    %get3A_8 = arith.constant 0 : index
    %get3A_9 = arith.constant 0 : index
    %get3A_10 = vector.load %arg1[%get3A_7, %get3A_8, %get3A_9] : memref<2x10112x128xf32, #tpu.memory_space<vmem>>, vector<1x10000x128xf32>
    %get3A_11 = vector.shape_cast %get3A_10 : vector<1x10000x128xf32> to vector<10000x128xf32>
    %add3A = arith.addf %get3A_6, %get3A_11 : vector<10000x128xf32>
    %get3A_12 = arith.constant 0 : index
    %get3A_13 = arith.constant 0 : index
    %get3A_14 = vector.load %arg2[%get3A_12, %get3A_13] : memref<10000x1xi32, #tpu.memory_space<vmem>>, vector<10000x1xi32>
    %iota3A = tpu.iota {dimensions = array<i32: 1>} : vector<1x128xi32>
    %eq3A = vector.broadcast %get3A_14 : vector<10000x1xi32> to vector<10000x128xi32>
    %eq3A_15 = vector.broadcast %iota3A : vector<1x128xi32> to vector<10000x128xi32>
    %eq3A_16 = arith.cmpi eq, %eq3A, %eq3A_15 : vector<10000x128xi32>
    %convert_element_type3A = arith.extui %eq3A_16 : vector<10000x128xi1> to vector<10000x128xi32>
    %convert_element_type3A_17 = arith.sitofp %convert_element_type3A : vector<10000x128xi32> to vector<10000x128xf32>
    %dot_general3A = arith.constant dense<0.000000e+00> : vector<128x128xf32>
    %dot_general3A_18 = tpu.matmul %convert_element_type3A_17, %get3A_1, %dot_general3A {dimension_numbers = #tpu.dot_dimension_numbers<[0], [0], [1], [1], [0, 1, 1, 1], [], []>, transpose_lhs_hint = false} : vector<10000x128xf32>, vector<10000x128xf32>, vector<128x128xf32> -> vector<128x128xf32>
    %get3A_19 = arith.constant 0 : index
    %get3A_20 = arith.constant 0 : index
    %get3A_21 = vector.load %arg7[%get3A_19, %get3A_20] : memref<128x128xf32, #tpu.memory_space<vmem>>, vector<128x128xf32>
    %dot_general3A_22 = arith.constant dense<0.000000e+00> : vector<128x128xf32>
    %dot_general3A_23 = tpu.matmul %dot_general3A_18, %get3A_21, %dot_general3A_22 {dimension_numbers = #tpu.dot_dimension_numbers<[1], [0], [0], [1], [0, 0, 1, 1], [], []>, transpose_lhs_hint = false} : vector<128x128xf32>, vector<128x128xf32>, vector<128x128xf32> -> vector<128x128xf32>
    %dot_general3A_24 = arith.constant dense<0.000000e+00> : vector<10000x128xf32>
    %dot_general3A_25 = tpu.matmul %convert_element_type3A_17, %dot_general3A_23, %dot_general3A_24 {dimension_numbers = #tpu.dot_dimension_numbers<[1], [0], [0], [1], [0, 0, 1, 1], [], []>, transpose_lhs_hint = false} : vector<10000x128xf32>, vector<128x128xf32>, vector<10000x128xf32> -> vector<10000x128xf32>
    %get3A_26 = arith.constant 0 : index
    %get3A_27 = arith.constant 0 : index
    %get3A_28 = vector.load %arg3[%get3A_26, %get3A_27] : memref<128x128xf32, #tpu.memory_space<vmem>>, vector<128x128xf32>
    %dot_general3A_29 = arith.constant dense<0.000000e+00> : vector<10000x128xf32>
    %dot_general3A_30 = tpu.matmul %get3A_1, %get3A_28, %dot_general3A_29 {dimension_numbers = #tpu.dot_dimension_numbers<[1], [0], [0], [1], [0, 0, 1, 1], [], []>, transpose_lhs_hint = false} : vector<10000x128xf32>, vector<128x128xf32>, vector<10000x128xf32> -> vector<10000x128xf32>
    %get3A_31 = arith.constant 0 : index
    %get3A_32 = arith.constant 0 : index
    %get3A_33 = vector.load %arg5[%get3A_31, %get3A_32] : memref<128x128xf32, #tpu.memory_space<vmem>>, vector<128x128xf32>
    %dot_general3A_34 = arith.constant dense<0.000000e+00> : vector<10000x128xf32>
    %dot_general3A_35 = tpu.matmul %add3A, %get3A_33, %dot_general3A_34 {dimension_numbers = #tpu.dot_dimension_numbers<[1], [0], [0], [1], [0, 0, 1, 1], [], []>, transpose_lhs_hint = false} : vector<10000x128xf32>, vector<128x128xf32>, vector<10000x128xf32> -> vector<10000x128xf32>
    %add3A_36 = arith.addf %dot_general3A_30, %dot_general3A_35 : vector<10000x128xf32>
    %add3A_37 = arith.addf %add3A_36, %dot_general3A_25 : vector<10000x128xf32>
    %get3A_38 = arith.constant 0 : index
    %get3A_39 = arith.constant 0 : index
    %get3A_40 = vector.load %arg4[%get3A_38, %get3A_39] : memref<1x128xf32, #tpu.memory_space<vmem>>, vector<1x128xf32>
    %add3A_41 = vector.broadcast %get3A_40 : vector<1x128xf32> to vector<10000x128xf32>
    %add3A_42 = arith.addf %add3A_37, %add3A_41 : vector<10000x128xf32>
    %get3A_43 = arith.constant 0 : index
    %get3A_44 = arith.constant 0 : index
    %get3A_45 = vector.load %arg6[%get3A_43, %get3A_44] : memref<1x128xf32, #tpu.memory_space<vmem>>, vector<1x128xf32>
    %add3A_46 = vector.broadcast %get3A_45 : vector<1x128xf32> to vector<10000x128xf32>
    %add3A_47 = arith.addf %add3A_42, %add3A_46 : vector<10000x128xf32>
    %get3A_48 = arith.constant 0 : index
    %get3A_49 = arith.constant 0 : index
    %get3A_50 = vector.load %arg8[%get3A_48, %get3A_49] : memref<1x128xf32, #tpu.memory_space<vmem>>, vector<1x128xf32>
    %add3A_51 = vector.broadcast %get3A_50 : vector<1x128xf32> to vector<10000x128xf32>
    %add3A_52 = arith.addf %add3A_47, %add3A_51 : vector<10000x128xf32>
    %max3A = arith.constant 0.000000e+00 : f32
    %max3A_53 = vector.broadcast %max3A : f32 to vector<10000x128xf32>
    %max3A_54 = arith.maximumf %add3A_52, %max3A_53 : vector<10000x128xf32>
    %reduce_sum3A = arith.constant dense<0.000000e+00> : vector<128xf32>
    %reduce_sum3A_55 = vector.multi_reduction <add>, %max3A_54, %reduce_sum3A [0] : vector<10000x128xf32> to vector<128xf32>
    %broadcast_in_dim3A = vector.shape_cast %reduce_sum3A_55 : vector<128xf32> to vector<1x128xf32>
    %div3A = arith.constant 1.000000e+04 : f32
    %div3A_56 = vector.broadcast %div3A : f32 to vector<1x128xf32>
    %div3A_57 = arith.divf %broadcast_in_dim3A, %div3A_56 : vector<1x128xf32>
    %sub3A = vector.broadcast %div3A_57 : vector<1x128xf32> to vector<10000x128xf32>
    %sub3A_58 = arith.subf %max3A_54, %sub3A : vector<10000x128xf32>
    %mul3A = arith.mulf %sub3A_58, %sub3A_58 : vector<10000x128xf32>
    %reduce_sum3A_59 = arith.constant dense<0.000000e+00> : vector<128xf32>
    %reduce_sum3A_60 = vector.multi_reduction <add>, %mul3A, %reduce_sum3A_59 [0] : vector<10000x128xf32> to vector<128xf32>
    %broadcast_in_dim3A_61 = vector.shape_cast %reduce_sum3A_60 : vector<128xf32> to vector<1x128xf32>
    %div3A_62 = arith.constant 1.000000e+04 : f32
    %div3A_63 = vector.broadcast %div3A_62 : f32 to vector<1x128xf32>
    %div3A_64 = arith.divf %broadcast_in_dim3A_61, %div3A_63 : vector<1x128xf32>
    %add3A_65 = arith.constant 9.99999974E-6 : f32
    %add3A_66 = vector.broadcast %add3A_65 : f32 to vector<1x128xf32>
    %add3A_67 = arith.addf %div3A_64, %add3A_66 : vector<1x128xf32>
    %rsqrt3A = math.rsqrt %add3A_67 : vector<1x128xf32>
    %mul3A_68 = vector.broadcast %rsqrt3A : vector<1x128xf32> to vector<10000x128xf32>
    %mul3A_69 = arith.mulf %sub3A_58, %mul3A_68 : vector<10000x128xf32>
    %get3A_70 = arith.constant 0 : index
    %get3A_71 = arith.constant 0 : index
    %get3A_72 = vector.load %arg9[%get3A_70, %get3A_71] : memref<1x128xf32, #tpu.memory_space<vmem>>, vector<1x128xf32>
    %mul3A_73 = vector.broadcast %get3A_72 : vector<1x128xf32> to vector<10000x128xf32>
    %mul3A_74 = arith.mulf %mul3A_69, %mul3A_73 : vector<10000x128xf32>
    %get3A_75 = arith.constant 0 : index
    %get3A_76 = arith.constant 0 : index
    %get3A_77 = vector.load %arg10[%get3A_75, %get3A_76] : memref<1x128xf32, #tpu.memory_space<vmem>>, vector<1x128xf32>
    %add3A_78 = vector.broadcast %get3A_77 : vector<1x128xf32> to vector<10000x128xf32>
    %add3A_79 = arith.addf %mul3A_74, %add3A_78 : vector<10000x128xf32>
    %swap3A = arith.constant 0 : index
    %swap3A_80 = arith.constant 0 : index
    %swap3A_81 = vector.load %arg11[%swap3A, %swap3A_80] : memref<10000x128xf32, #tpu.memory_space<vmem>>, vector<10000x128xf32>
    tpu.vector_store %arg11[%swap3A, %swap3A_80], %add3A_79 {strides = array<i32>} : memref<10000x128xf32, #tpu.memory_space<vmem>>, vector<10000x128xf32>,
    return
  }
}

module attributes {stable_mosaic.version = 14 : i64} {
  func.func @tc_combine(%arg0: memref<10000x128xf32, #tpu.memory_space<vmem>>, %arg1: memref<2x10112x128xf32, #tpu.memory_space<vmem>>, %arg2: memref<10000x1xi32, #tpu.memory_space<vmem>>, %arg3: memref<128x128xf32, #tpu.memory_space<vmem>>, %arg4: memref<1x128xf32, #tpu.memory_space<vmem>>, %arg5: memref<128x128xf32, #tpu.memory_space<vmem>>, %arg6: memref<1x128xf32, #tpu.memory_space<vmem>>, %arg7: memref<128x128xf32, #tpu.memory_space<vmem>>, %arg8: memref<1x128xf32, #tpu.memory_space<vmem>>, %arg9: memref<1x128xf32, #tpu.memory_space<vmem>>, %arg10: memref<1x128xf32, #tpu.memory_space<vmem>>, %arg11: memref<128x128xf32, #tpu.memory_space<vmem>>, %arg12: memref<128xf32, #tpu.memory_space<vmem>>, %arg13: memref<10000x128xf32, #tpu.memory_space<vmem>>) attributes {dimension_semantics = [], scalar_prefetch = 0 : i64, scratch_operands = 0 : i64, tpu.core_type = #tpu.core_type<tc>} {
    %get3A = arith.constant 0 : index
    %get3A_0 = arith.constant 0 : index
    %get3A_1 = vector.load %arg0[%get3A, %get3A_0] : memref<10000x128xf32, #tpu.memory_space<vmem>>, vector<10000x128xf32>
    %get3A_2 = arith.constant 0 : index
    %get3A_3 = arith.constant 0 : index
    %get3A_4 = arith.constant 0 : index
    %get3A_5 = vector.load %arg1[%get3A_2, %get3A_3, %get3A_4] : memref<2x10112x128xf32, #tpu.memory_space<vmem>>, vector<1x10000x128xf32>
    %get3A_6 = vector.shape_cast %get3A_5 : vector<1x10000x128xf32> to vector<10000x128xf32>
    %get3A_7 = arith.constant 1 : index
    %get3A_8 = arith.constant 0 : index
    %get3A_9 = arith.constant 0 : index
    %get3A_10 = vector.load %arg1[%get3A_7, %get3A_8, %get3A_9] : memref<2x10112x128xf32, #tpu.memory_space<vmem>>, vector<1x10000x128xf32>
    %get3A_11 = vector.shape_cast %get3A_10 : vector<1x10000x128xf32> to vector<10000x128xf32>
    %add3A = arith.addf %get3A_6, %get3A_11 : vector<10000x128xf32>
    %get3A_12 = arith.constant 0 : index
    %get3A_13 = arith.constant 0 : index
    %get3A_14 = vector.load %arg2[%get3A_12, %get3A_13] : memref<10000x1xi32, #tpu.memory_space<vmem>>, vector<10000x1xi32>
    %iota3A = tpu.iota {dimensions = array<i32: 1>} : vector<1x128xi32>
    %eq3A = vector.broadcast %get3A_14 : vector<10000x1xi32> to vector<10000x128xi32>
    %eq3A_15 = vector.broadcast %iota3A : vector<1x128xi32> to vector<10000x128xi32>
    %eq3A_16 = arith.cmpi eq, %eq3A, %eq3A_15 : vector<10000x128xi32>
    %convert_element_type3A = arith.extui %eq3A_16 : vector<10000x128xi1> to vector<10000x128xi32>
    %convert_element_type3A_17 = arith.sitofp %convert_element_type3A : vector<10000x128xi32> to vector<10000x128xf32>
    %dot_general3A = arith.constant dense<0.000000e+00> : vector<128x128xf32>
    %dot_general3A_18 = tpu.matmul %convert_element_type3A_17, %get3A_1, %dot_general3A {dimension_numbers = #tpu.dot_dimension_numbers<[0], [0], [1], [1], [0, 1, 1, 1], [], []>, transpose_lhs_hint = false} : vector<10000x128xf32>, vector<10000x128xf32>, vector<128x128xf32> -> vector<128x128xf32>
    %get3A_19 = arith.constant 0 : index
    %get3A_20 = arith.constant 0 : index
    %get3A_21 = vector.load %arg7[%get3A_19, %get3A_20] : memref<128x128xf32, #tpu.memory_space<vmem>>, vector<128x128xf32>
    %dot_general3A_22 = arith.constant dense<0.000000e+00> : vector<128x128xf32>
    %dot_general3A_23 = tpu.matmul %dot_general3A_18, %get3A_21, %dot_general3A_22 {dimension_numbers = #tpu.dot_dimension_numbers<[1], [0], [0], [1], [0, 0, 1, 1], [], []>, transpose_lhs_hint = false} : vector<128x128xf32>, vector<128x128xf32>, vector<128x128xf32> -> vector<128x128xf32>
    %dot_general3A_24 = arith.constant dense<0.000000e+00> : vector<10000x128xf32>
    %dot_general3A_25 = tpu.matmul %convert_element_type3A_17, %dot_general3A_23, %dot_general3A_24 {dimension_numbers = #tpu.dot_dimension_numbers<[1], [0], [0], [1], [0, 0, 1, 1], [], []>, transpose_lhs_hint = false} : vector<10000x128xf32>, vector<128x128xf32>, vector<10000x128xf32> -> vector<10000x128xf32>
    %get3A_26 = arith.constant 0 : index
    %get3A_27 = arith.constant 0 : index
    %get3A_28 = vector.load %arg3[%get3A_26, %get3A_27] : memref<128x128xf32, #tpu.memory_space<vmem>>, vector<128x128xf32>
    %dot_general3A_29 = arith.constant dense<0.000000e+00> : vector<10000x128xf32>
    %dot_general3A_30 = tpu.matmul %get3A_1, %get3A_28, %dot_general3A_29 {dimension_numbers = #tpu.dot_dimension_numbers<[1], [0], [0], [1], [0, 0, 1, 1], [], []>, transpose_lhs_hint = false} : vector<10000x128xf32>, vector<128x128xf32>, vector<10000x128xf32> -> vector<10000x128xf32>
    %get3A_31 = arith.constant 0 : index
    %get3A_32 = arith.constant 0 : index
    %get3A_33 = vector.load %arg5[%get3A_31, %get3A_32] : memref<128x128xf32, #tpu.memory_space<vmem>>, vector<128x128xf32>
    %dot_general3A_34 = arith.constant dense<0.000000e+00> : vector<10000x128xf32>
    %dot_general3A_35 = tpu.matmul %add3A, %get3A_33, %dot_general3A_34 {dimension_numbers = #tpu.dot_dimension_numbers<[1], [0], [0], [1], [0, 0, 1, 1], [], []>, transpose_lhs_hint = false} : vector<10000x128xf32>, vector<128x128xf32>, vector<10000x128xf32> -> vector<10000x128xf32>
    %add3A_36 = arith.addf %dot_general3A_30, %dot_general3A_35 : vector<10000x128xf32>
    %add3A_37 = arith.addf %add3A_36, %dot_general3A_25 : vector<10000x128xf32>
    %get3A_38 = arith.constant 0 : index
    %get3A_39 = arith.constant 0 : index
    %get3A_40 = vector.load %arg4[%get3A_38, %get3A_39] : memref<1x128xf32, #tpu.memory_space<vmem>>, vector<1x128xf32>
    %add3A_41 = vector.broadcast %get3A_40 : vector<1x128xf32> to vector<10000x128xf32>
    %add3A_42 = arith.addf %add3A_37, %add3A_41 : vector<10000x128xf32>
    %get3A_43 = arith.constant 0 : index
    %get3A_44 = arith.constant 0 : index
    %get3A_45 = vector.load %arg6[%get3A_43, %get3A_44] : memref<1x128xf32, #tpu.memory_space<vmem>>, vector<1x128xf32>
    %add3A_46 = vector.broadcast %get3A_45 : vector<1x128xf32> to vector<10000x128xf32>
    %add3A_47 = arith.addf %add3A_42, %add3A_46 : vector<10000x128xf32>
    %get3A_48 = arith.constant 0 : index
    %get3A_49 = arith.constant 0 : index
    %get3A_50 = vector.load %arg8[%get3A_48, %get3A_49] : memref<1x128xf32, #tpu.memory_space<vmem>>, vector<1x128xf32>
    %add3A_51 = vector.broadcast %get3A_50 : vector<1x128xf32> to vector<10000x128xf32>
    %add3A_52 = arith.addf %add3A_47, %add3A_51 : vector<10000x128xf32>
    %max3A = arith.constant 0.000000e+00 : f32
    %max3A_53 = vector.broadcast %max3A : f32 to vector<10000x128xf32>
    %max3A_54 = arith.maximumf %add3A_52, %max3A_53 : vector<10000x128xf32>
    %reduce_sum3A = arith.constant dense<0.000000e+00> : vector<128xf32>
    %reduce_sum3A_55 = vector.multi_reduction <add>, %max3A_54, %reduce_sum3A [0] : vector<10000x128xf32> to vector<128xf32>
    %broadcast_in_dim3A = vector.shape_cast %reduce_sum3A_55 : vector<128xf32> to vector<1x128xf32>
    %div3A = arith.constant 1.000000e+04 : f32
    %div3A_56 = vector.broadcast %div3A : f32 to vector<1x128xf32>
    %div3A_57 = arith.divf %broadcast_in_dim3A, %div3A_56 : vector<1x128xf32>
    %sub3A = vector.broadcast %div3A_57 : vector<1x128xf32> to vector<10000x128xf32>
    %sub3A_58 = arith.subf %max3A_54, %sub3A : vector<10000x128xf32>
    %mul3A = arith.mulf %sub3A_58, %sub3A_58 : vector<10000x128xf32>
    %reduce_sum3A_59 = arith.constant dense<0.000000e+00> : vector<128xf32>
    %reduce_sum3A_60 = vector.multi_reduction <add>, %mul3A, %reduce_sum3A_59 [0] : vector<10000x128xf32> to vector<128xf32>
    %broadcast_in_dim3A_61 = vector.shape_cast %reduce_sum3A_60 : vector<128xf32> to vector<1x128xf32>
    %div3A_62 = arith.constant 1.000000e+04 : f32
    %div3A_63 = vector.broadcast %div3A_62 : f32 to vector<1x128xf32>
    %div3A_64 = arith.divf %broadcast_in_dim3A_61, %div3A_63 : vector<1x128xf32>
    %add3A_65 = arith.constant 9.99999974E-6 : f32
    %add3A_66 = vector.broadcast %add3A_65 : f32 to vector<1x128xf32>
    %add3A_67 = arith.addf %div3A_64, %add3A_66 : vector<1x128xf32>
    %rsqrt3A = math.rsqrt %add3A_67 : vector<1x128xf32>
    %mul3A_68 = vector.broadcast %rsqrt3A : vector<1x128xf32> to vector<10000x128xf32>
    %mul3A_69 = arith.mulf %sub3A_58, %mul3A_68 : vector<10000x128xf32>
    %get3A_70 = arith.constant 0 : index
    %get3A_71 = arith.constant 0 : index
    %get3A_72 = vector.load %arg9[%get3A_70, %get3A_71] : memref<1x128xf32, #tpu.memory_space<vmem>>, vector<1x128xf32>
    %mul3A_73 = vector.broadcast %get3A_72 : vector<1x128xf32> to vector<10000x128xf32>
    %mul3A_74 = arith.mulf %mul3A_69, %mul3A_73 : vector<10000x128xf32>
    %get3A_75 = arith.constant 0 : index
    %get3A_76 = arith.constant 0 : index
    %get3A_77 = vector.load %arg10[%get3A_75, %get3A_76] : memref<1x128xf32, #tpu.memory_space<vmem>>, vector<1x128xf32>
    %add3A_78 = vector.broadcast %get3A_77 : vector<1x128xf32> to vector<10000x128xf32>
    %add3A_79 = arith.addf %mul3A_74, %add3A_78 : vector<10000x128xf32>
    %get3A_80 = arith.constant 0 : index
    %get3A_81 = arith.constant 0 : index
    %get3A_82 = vector.load %arg11[%get3A_80, %get3A_81] : memref<128x128xf32, #tpu.memory_space<vmem>>, vector<128x128xf32>
    %dot_general3A_83 = arith.constant dense<0.000000e+00> : vector<10000x128xf32>
    %dot_general3A_84 = tpu.matmul %add3A_79, %get3A_82, %dot_general3A_83 {dimension_numbers = #tpu.dot_dimension_numbers<[1], [0], [0], [1], [0, 0, 1, 1], [], []>, transpose_lhs_hint = false} : vector<10000x128xf32>, vector<128x128xf32>, vector<10000x128xf32> -> vector<10000x128xf32>
    %get3A_85 = arith.constant 0 : index
    %get3A_86 = vector.load %arg12[%get3A_85] : memref<128xf32, #tpu.memory_space<vmem>>, vector<128xf32>
    %broadcast_in_dim3A_87 = vector.shape_cast %get3A_86 : vector<128xf32> to vector<1x128xf32>
    %add3A_88 = vector.broadcast %broadcast_in_dim3A_87 : vector<1x128xf32> to vector<10000x128xf32>
    %add3A_89 = arith.addf %dot_general3A_84, %add3A_88 : vector<10000x128xf32>
    %swap3A = arith.constant 0 : index
    %swap3A_90 = arith.constant 0 : index
    %swap3A_91 = vector.load %arg13[%swap3A, %swap3A_90] : memref<10000x128xf32, #tpu.memory_space<vmem>>, vector<10000x128xf32>
    tpu.vector_store %arg13[%swap3A, %swap3A_90], %add3A_89 {strides = array<i32>} : memref<10000x128xf32, #tpu.memory_space<vmem>>, vector<10000x128xf32>,
    return
  }
}

</mosaic_0001>

<sc_bundles>
// kernel: sc_edge_aggregate.4.cloned.1.call-start
scs
__scs_entry_jumppad:
0x0: {  	(pc) =	sbr.rel $0x88, $3  }
0x1: {  	(tag) =	ssettag $0x0;
	lr =	simm.s32 $0x1  }
0x2: {  	[smem:$0x3F94] =	sst lr;
	_ =	strace $0xD0000000  }
0x3: {  	_ = 	snop  }
0x4: {  	_ = 	snop  }
0x5: {  	_ = 	snop  }
0x6: {  	_ = 	snop  }
0x7: {  	_ = 	snop  }
__scs_overlays_trampoline_lowered:
0x8: {  	[smem:$0x3FA3] =	sst s0  }
0x9: {  	[smem:$0x3FA4] =	sst s1  }
0xa: {  	[smem:$0x3FA5] =	sst s2  }
0xb: {  	[smem:$0x3FA6] =	sst s3  }
0xc: {  	[smem:$0x3FA7] =	sst s4  }
0xd: {  	[smem:$0x3FA8] =	sst s5  }
0xe: {  	[smem:$0x3FA9] =	sst s6  }
0xf: {  	[smem:$0x3FAA] =	sst s7  }
0x10: {  	[smem:$0x3FAB] =	sst s8  }
0x11: {  	[smem:$0x3FAC] =	sst s9;
	s0 =	simm.s32 @!p0 $0x0  }
0x12: {  	s1 =	sld [smem:$0x3F92];
	s0 =	simm.s32 @p0 $0x1  }
0x13: {  	[smem:$0x3FAD] =	sst s0;
	s0 =	simm.s32 @!p1 $0x0  }
0x14: {  	s2 =	sld [smem:$0x3F91];
	s0 =	simm.s32 @p1 $0x1  }
0x15: {  	[smem:$0x3FAE] =	sst s0;
	s0 =	simm.s32 @!p2 $0x0  }
0x16: {  	s3 =	sld [smem:$0x3FDB];
	s0 =	simm.s32 @p2 $0x1  }
0x17: {  	s4 =	simm.s32 $0x1BF5;
	[smem:$0x3FB0] =	sst s0  }
0x18: {  	s0 =	sld [smem:$0x3F93];
	_ =	swait.ge [sflag:s4], $0x0  }
0x19: {  	s7 =	sld [smem:$0x3F94]  }
0x1a: {  	s8 =	sadd.s32 $0xFFFFE003, lr  }
0x1b: {  	s9 =	sadd.s32 $0xFFFFFEF7, lr;
	s5 =	simm.s32 $0xFFFFFFFF;
	p2 =	slt.u32 s8, $0xFFFFF086  }
0x1c: {  	p1 =	slt.u32 s9, $0xF7A;
	s5 =	simm.s32 @!p2 $0x0  }
0x1d: {  	s5 =	simm.s32 @p1 $0x1;
	p0 =	seq.s32 s7, s2  }
0x1e: {  	s7 =	smul.u32 @!p0 $0xF7A, s2;
	p2 =	seq.s32 @!p0 s5, $0x0  }
0x1f: {  	s9 =	smul.u32 $0xF7A, s1;
	s8 =	simm.s32 @!p0 $0x1BF5;
	p2 =	por !p2, p0  }
0x20: {  	[sflag:s8] =	ssyncset.s32 @!p0 $0xFFFFF086;
	s6 =	sadd.s32 @!p0 s3, s7;
	s7 =	simm.s32 @!p0 $0x108  }
0x21: {  	s3 =	sadd.s32 s3, s9;
	s6 =	sadd.s32 @!p0 $0x88, s6;
	s7 =	simm.s32 @p2 $0x1082  }
0x22: {  	[simem:s7], [sflag:s8] =	dma.local @!p0 [hbm:s6], $0xF7A  }
0x23: {  	s9 =	sor.u32 $0xD0000000, s2;
	s6 =	simm.s32 $0x108;
	_ =	swait.ge @!p0 [sflag:s8], $0x0  }
0x24: {  	s3 =	sadd.s32 $0x88, s3;
	s6 =	simm.s32 @!p1 $0x1082;
	[sflag:s4] =	ssyncset.s32 $0xFFFFF086  }
0x25: {  	[simem:s6], [sflag:s4] =	dma.local [hbm:s3], $0xF7A  }
0x26: {  	[smem:$0x3F94] =	sst s1;
	(tag) =	ssettag s2;
	_ =	strace s9  }
0x27: {  	s1 =	sld [smem:$0x3FA4]  }
0x28: {  	s2 =	sld [smem:$0x3FA5]  }
0x29: {  	s4 =	sld [smem:$0x3FA7]  }
0x2a: {  	p0 =	seq.s32 s5, $0x0;
	s5 =	sld [smem:$0x3FA8]  }
0x2b: {  	s6 =	sld [smem:$0x3FA9]  }
0x2c: {  	s7 =	sld [smem:$0x3FAA]  }
0x2d: {  	s3 =	simm.s32 $0x108;
	s8 =	sld [smem:$0x3FAB]  }
0x2e: {  	s3 =	simm.s32 @!p0 $0x1082;
	s9 =	sld [smem:$0x3FAC]  }
0x2f: {  	lr =	sadd.s32 s0, s3;
	s0 =	sld [smem:$0x3FA3]  }
0x30: {  	s3 =	sld [smem:$0x3FA6]  }
0x31: {  	[smem:$0x3FAF] =	sst s10  }
0x32: {  	s10 =	sld [smem:$0x3FAD];
	_ =	sdelay $0x3  }
0x33: {  	p0 =	seq.s32 s10, $0x1;
	s10 =	sld [smem:$0x3FAF];
	_ =	sdelay $0x3  }
0x34: {  	[smem:$0x3FAF] =	sst s10  }
0x35: {  	s10 =	sld [smem:$0x3FAE];
	_ =	sdelay $0x3  }
0x36: {  	p1 =	seq.s32 s10, $0x1;
	s10 =	sld [smem:$0x3FAF];
	_ =	sdelay $0x3  }
0x37: {  	[smem:$0x3FAF] =	sst s10  }
0x38: {  	s10 =	sld [smem:$0x3FB0]  }
0x39: {  	_ = 	snop;
	(pc) =	sbr.ind lr, $3  }
0x3a: {  	_ = 	snop  }
0x3b: {  	_ = 	snop  }
0x3c: {  	p2 =	seq.s32 s10, $0x1;
	s10 =	sld [smem:$0x3FAF]  }
0x3d: {  	_ =	shalt  }
0x3e: {  	_ =	shalt  }
0x3f: {  	_ =	shalt  }
0x40: {  	_ =	shalt  }
0x41: {  	_ =	shalt  }
0x42: {  	_ =	shalt  }
0x43: {  	_ =	shalt  }
0x44: {  	_ =	shalt  }
0x45: {  	_ =	shalt  }
0x46: {  	_ =	shalt  }
0x47: {  	_ =	shalt  }
0x48: {  	_ =	shalt  }
0x49: {  	_ =	shalt  }
0x4a: {  	_ =	shalt  }
0x4b: {  	_ =	shalt  }
0x4c: {  	_ =	shalt  }
0x4d: {  	_ =	shalt  }
0x4e: {  	_ =	shalt  }
0x4f: {  	_ =	shalt  }
0x50: {  	_ =	shalt  }
0x51: {  	_ =	shalt  }
0x52: {  	_ =	shalt  }
0x53: {  	_ =	shalt  }
0x54: {  	_ =	shalt  }
0x55: {  	_ =	shalt  }
0x56: {  	_ =	shalt  }
0x57: {  	_ =	shalt  }
0x58: {  	_ =	shalt  }
0x59: {  	_ =	shalt  }
0x5a: {  	_ =	shalt  }
0x5b: {  	_ =	shalt  }
0x5c: {  	_ =	shalt  }
0x5d: {  	_ =	shalt  }
0x5e: {  	_ =	shalt  }
0x5f: {  	_ =	shalt  }
0x60: {  	_ =	shalt  }
0x61: {  	_ =	shalt  }
0x62: {  	_ =	shalt  }
0x63: {  	_ =	shalt  }
0x64: {  	_ =	shalt  }
0x65: {  	_ =	shalt  }
0x66: {  	_ =	shalt  }
0x67: {  	_ =	shalt  }
0x68: {  	_ =	shalt  }
0x69: {  	_ =	shalt  }
0x6a: {  	_ =	shalt  }
0x6b: {  	_ =	shalt  }
0x6c: {  	_ =	shalt  }
0x6d: {  	_ =	shalt  }
0x6e: {  	_ =	shalt  }
0x6f: {  	_ =	shalt  }
0x70: {  	_ =	shalt  }
0x71: {  	_ =	shalt  }
0x72: {  	_ =	shalt  }
0x73: {  	_ =	shalt  }
0x74: {  	_ =	shalt  }
0x75: {  	_ =	shalt  }
0x76: {  	_ =	shalt  }
0x77: {  	_ =	shalt  }
0x78: {  	_ =	shalt  }
0x79: {  	_ =	shalt  }
0x7a: {  	_ =	shalt  }
0x7b: {  	_ =	shalt  }
0x7c: {  	_ =	shalt  }
0x7d: {  	_ =	shalt  }
0x7e: {  	_ =	shalt  }
0x7f: {  	_ =	shalt  }
0x80: {  	_ =	shalt  }
0x81: {  	_ =	shalt  }
0x82: {  	_ =	shalt  }
0x83: {  	_ =	shalt  }
0x84: {  	_ =	shalt  }
0x85: {  	_ =	shalt  }
0x86: {  	_ =	shalt  }
0x87: {  	_ =	shalt  }
.Lfunc_end0:
.L_simem_size_0:
called_computation_lowered:
.L_overlay_start_0:
0x88: {  	s2 =	sld [smem:$0x3FD9]  }
0x89: {  	s3 =	sld [smem:$0x3FFE];
	_ =	sdelay $0x1  }
0x8a: {  	s1 =	srdreg.scid  }
0x8b: {  	s0 =	sand.u32 $0x1, s1  }
0x8c: {  	s17 =	sshll.u32 s0, $0xA;
	s2 =	sadd.s32 s3, s2  }
0x8d: {  	s2 =	sadd.s32 s2, s17  }
0x8e: {  	[smem:$0x3FBB] =	sst s2  }
0x8f: {  	_ = 	snop  }
0x90: {  	s2 =	sld [smem:$0x3FC9];
	(tm) =	ssettm $0x1  }
0x91: {  	s18 =	sld [smem:$0x3FFB];
	_ =	sdelay $0x3  }
0x92: {  	_ =	strace s18  }
0x93: {  	s3 =	sld [smem:$0x3FFC];
	_ =	sdelay $0x3  }
0x94: {  	_ =	strace s3  }
0x95: {  	s3 =	sld [smem:$0x3FFD];
	_ =	sdelay $0x3  }
0x96: {  	_ =	strace s3  }
0x97: {  	_ =	strace $0x8FFFFFFF  }
0x98: {  	s19 =	sld [smem:$0x3FDB];
	_ =	sdelay $0x1  }
0x99: {  	s4 =	simm.s32 $_scs_section_size  }
0x9a: {  	s5 =	simm.s32 $_size__tile_overlayer_lowered;
	s6 =	simm.s32 $_tile_overlayer_lowered  }
0x9b: {  	s22 =	simm.s32 $0x1BFF;
	s21 =	sshll.u32 s6, $0x1;
	s3 =	sadd.s32 s4, s19  }
0x9c: {  	s7 =	simm.s32 $0x0;
	s20 =	sshll.u32 s5, $0x1;
	s5 =	sadd.s32 s21, s3  }
0x9d: {  	[timem:s7], [sflag:s22] =	dma.local [hbm:s5], s20  }
0x9e: {  	_ =	swait.ge [sflag:s22], s20  }
0x9f: {  	s4 =	ssub.s32 $0x0, s20;
	[sflag:s22] =	ssyncset.done $0x0  }
0xa0: {  	[sflag:s22] =	ssyncadd.s32 s4;
	_ =	sdelay $0x1  }
0xa1: {  	s23 =	simm.s32 $0x1B8B  }
0xa2: {  	_ =	swait.ge [sflag:s23], $0x1  }
0xa3: {  	[sflag:s23] =	ssyncset.done $0x0  }
0xa4: {  	s25 =	simm.s32 $0x1B8E;
	s24 =	sld [smem:$0x3FFE];
	[sflag:s23] =	ssyncadd.s32 $0xFFFFFFFF  }
0xa5: {  	s26 =	simm.s32 $execute0_lowered;
	[smem:$0x3FD2] =	sst s25  }
0xa6: {  	s5 =	sshll.u32 s26, $0x1;
	_ =	strace $0x80000046;
	[dreg:$0x1] =	wrdreg $0xFFFFFFFF  }
0xa7: {  	s28 =	simm.s32 $_size_execute0_lowered;
	s3 =	sadd.s32 s3, s5;
	[dreg:$0x0] =	wrdreg $0x0  }
0xa8: {  	s5 =	sshll.u32 s28, $0x1;
	[dreg:$0x2] =	wrdreg s3  }
0xa9: {  	[dreg:$0x3] =	wrdreg s5  }
0xaa: {  	[dreg:$0x4] =	wrdreg $0xC0  }
0xab: {  	_ =	task [dreg:s7], $0x5FFFF  }
0xac: {  	[dreg:$0x1] =	wrdreg $0xFFFFFFFF  }
0xad: {  	[dreg:$0x0] =	wrdreg $0x60  }
0xae: {  	[dreg:$0x2] =	wrdreg s2  }
0xaf: {  	[dreg:$0x3] =	wrdreg s24  }
0xb0: {  	[dreg:$0x4] =	wrdreg $0xB1800  }
0xb1: {  	[dreg:$0x5] =	wrdreg $0x9  }
0xb2: {  	_ =	task.clear_ibuf [dreg:s7], $0x6FFFF;
	_ =	strace $0x90000046  }
0xb3: {  	s29 =	simm.s32 $0x9;
	_ =	strace $0x80000048  }
0xb4: {  	_ =	swait.ge [sflag:s29], $0x1  }
0xb5: {  	[sflag:s29] =	ssyncadd.s32 $0xFFFFFFFF  }
0xb6: {  	_ =	strace $0x90000048  }
0xb7: {  	_ =	sfence  }
0xb8: {  	s30 =	sld [smem:$0x0];
	_ =	sdelay $0x2  }
0xb9: {  	s31 =	sshll.u32 s1, $0xD;
	s1 =	sshrl.u32 s1, $0x2  }
0xba: {  	s3 =	sand.u32 $0x4000, s31;
	s1 =	sadd.s32 s1, s30  }
0xbb: {  	s0 =	sor.u32 s3, s0;
	s1 =	sshll.u32 s1, $0x11  }
0xbc: {  	s0 =	sor.u32 s1, s0  }
0xbd: {  	s0 =	sadd.s32 $0x8F2B, s0  }
0xbe: {  	[sflag:s0] =	ssyncadd.remote.s32 $0x1  }
0xbf: {  	_ =	sfence.sel $0xFFFF  }
0xc0: {  	[dreg:$0x0] =	wrdreg $0xFFFFFFFF;
	(pc) =	sbr.abs _section_cstart, $3  }
0xc1: {  	[dreg:$0x1] =	wrdreg $0xFFFFFFFF  }
0xc2: {  	_ =	task.clear_ibuf [dreg:s7], $0x2FFFF;
	_ =	strace $0x9FFFFFFF  }
0xc3: {  	(tm) =	ssettm $0x7FFFFFFF  }
tec
execute0_lowered:
.L_overlay_start_1:
0x0: {  	(tag) =	ssettag $0x1  }
0x1: {  	s0 =	srdreg.scid;
	s1 =	rddreg [dreg:$0x0]  }
0x2: {  	s11 =	stileid.u32;
	s7 =	rddreg [dreg:$0x1]  }
0x3: {  	s3 =	rddreg [dreg:$0x2];
	s5 =	simm.s32 $0x0;
	s16 =	simm.s32 $0xA  }
0x4: {  	s17 =	simm.s32 $0x5000;
	s18 =	simm.s32 $0x5080;
	s19 =	simm.s32 $0x5100  }
0x5: {  	s20 =	simm.s32 $0x1;
	s28 =	simm.s32 $0x4;
	s29 =	simm.s32 $0x7  }
0x6: {  	s30 =	simm.s32 $0x5;
	s31 =	simm.s32 $0x8;
	s0 =	sand.u32 $0x1, s0  }
0x7: {  	s2 =	sshll.u32 s11, $0x1;
	[smem:$0x7FF] =	sst s5;
	s8 =	smul.u32 $0x13C00, s11  }
0x8: {  	s6 =	sadd.s32 $0x3000, s7;
	s22 =	smul.u32 $0x4F000, s11;
	s12 =	sadd.s32 $0x2B000, s7  }
0x9: {  	s25 =	sshll.u32 s11, $0x6;
	s2 =	sor.u32 s0, s2;
	s21 =	smul.u32 $0x13C000, s0  }
0xa: {  	_ =	strace $0x80000047;
	s0 =	ssub.s32 $0x2, s0;
	[dreg:$0x4] =	wrdreg s12  }
0xb: {  	s4 =	smul.u32 $0x5000, s2;
	s23 =	sshrl.u32 s0, $0x1;
	s24 =	sshrl.u32 s22, $0x2  }
0xc: {  	s22 =	simm.s32 $0x5180;
	s2 =	sadd.s32 s8, s21;
	s0 =	ssub.s32 s0, s23  }
0xd: {  	s8 =	sor.u32 $0x1C0A, s25;
	s21 =	simm.s32 $0x40;
	s23 =	simm.s32 $0x2  }
0xe: {  	s25 =	simm.s32 $0x3;
	s9 =	sshrl.u32 s4, $0x3;
	s2 =	sshrl.u32 s2, $0x3  }
0xf: {  	s0 =	smax.u32 s0, $0x1;
	s10 =	sadd.s32 s9, s7;
	s2 =	sadd.s32 s2, s7  }
0x10: {  	s7 =	sadd.s32 s24, s3;
	s9 =	sadd.s32 s6, s9;
	[dreg:$0xa] =	wrdreg s0  }
0x11: {  	s24 =	simm.s32 $0x7180;
	s10 =	sadd.s32 $0x17000, s10;
	[dreg:$0x5] =	wrdreg s9  }
0x12: {  	s0 =	simm.s32 $0x9;
	s26 =	sadd.s32 $0x10, s9;
	[dreg:$0x6] =	wrdreg s10  }
0x13: {  	s9 =	sadd.s32 $0x20, s9;
	s2 =	sadd.s32 $0x2D800, s2;
	[dreg:$0x7] =	wrdreg s26  }
0x14: {  	s15 =	sshrl.u32 s7, $0x3;
	s7 =	simm.s32 $0x0;
	[dreg:$0x8] =	wrdreg s9  }
0x15: {  	[dreg:$0x9] =	wrdreg s2;
	s26 =	simm.s32 $0x9180;
	s2 =	simm.s32 $0x6  }
.LBB2_1:
0x16: {  	s9 =	rddreg [dreg:$0x4]  }
0x17: {  	[spmem:s15], [sflag:s8] =	dma.local [hbm:s9], $0x2780  }
0x18: {  	_ =	swait.ge [sflag:s16], $0x2780  }
0x19: {  	[sflag:s16] =	ssyncset.done $0x0  }
0x1a: {  	s12 =	rddreg [dreg:$0x6];
	[sflag:s16] =	ssyncadd.s32 $0xFFFFD880  }
0x1b: {  	[tilespmem:s5], [sflag:$0xA] =	stream.linear.gather [hbm4b:s12+s5], $0x4F80, $0x38;
	[tilespmem:$0x1ED80] =	vst v63  }
0x1c: {  	_ =	swait.ge [sflag:s16], $0x4F80  }
0x1d: {  	[sflag:s16] =	ssyncset.done $0x0  }
0x1e: {  	[sflag:s16] =	ssyncadd.s32 $0xFFFFB080  }
0x1f: {  	[bflag:$0x0] =	sbarrier.arrive $0xFFFF  }
0x20: {  	s13 =	rddreg [dreg:$0x5]  }
0x21: {  	[tilespmem:s17], [sflag:$0x1] =	stream.linear.gather [hbm4b:s13+s5], $0x80, $0x38;
	[tilespmem:$0x1ED80] =	vst v63  }
0x22: {  	s14 =	rddreg [dreg:$0x7]  }
0x23: {  	[tilespmem:s18], [sflag:$0x2] =	stream.linear.gather [hbm4b:s14+s5], $0x80, $0x38;
	[tilespmem:$0x1ED80] =	vst v63  }
0x24: {  	s10 =	rddreg [dreg:$0x8]  }
0x25: {  	[tilespmem:s19], [sflag:$0x3] =	stream.linear.gather [hbm4b:s10+s5], $0x80, $0x38;
	[tilespmem:$0x1ED80] =	vst v63  }
0x26: {  	_ =	swait.ge [sflag:s20], $0x80  }
0x27: {  	[sflag:s20] =	ssyncset.done $0x0  }
0x28: {  	[sflag:s20] =	ssyncadd.s32 $0xFFFFFF80  }
0x29: {  	[tilespmem:s22], [sflag:$0x4] =	stream.indirect.gather [hbm4b:s1+s21], $0x80, s17, s21, $0xb8;
	[tilespmem:$0x1ED80] =	vst v63  }
0x2a: {  	_ =	swait.ge [sflag:s23], $0x80  }
0x2b: {  	[sflag:s23] =	ssyncset.done $0x0  }
0x2c: {  	[sflag:s23] =	ssyncadd.s32 $0xFFFFFF80  }
0x2d: {  	[tilespmem:s24], [sflag:$0x5] =	stream.indirect.gather [hbm4b:s1+s21], $0x80, s18, s21, $0xb8;
	[tilespmem:$0x1ED80] =	vst v63  }
0x2e: {  	s11 =	simm.s32 $0x180;
	_ =	swait.ge [sflag:s25], $0x80  }
0x2f: {  	s10 =	sand.u32 $0xFC00, s11;
	[sflag:s25] =	ssyncset.done $0x0  }
0x30: {  	s9 =	sand.u32 $0x380, s11;
	s10 =	sadd.s32 s4, s10;
	[sflag:s25] =	ssyncadd.s32 $0xFFFFFF80  }
0x31: {  	[tilespmem:s26], [sflag:$0x6] =	stream.indirect.gather [hbm4b:s1+s21], $0x80, s19, s21, $0xb8;
	[tilespmem:$0x1ED80] =	vst v63  }
0x32: {  	s9 =	sor.u32 s9, s10;
	_ =	swait.ge [sflag:s28], $0x2000  }
0x33: {  	s9 =	sshrl.u32 s9, $0x3;
	[sflag:s28] =	ssyncset.done $0x0  }
0x34: {  	s9 =	sadd.s32 s6, s9;
	[sflag:s28] =	ssyncadd.s32 $0xFFFFE000  }
0x35: {  	[tilespmem:s17], [sflag:$0x1] =	stream.linear.gather [hbm4b:s9+s5], $0x80, $0x38;
	[tilespmem:$0x1ED80] =	vst v63  }
0x36: {  	s12 =	simm.s32 $0x0  }
0x37: {  	[spmem:s3] =	stream.indirect.scatter.add.f32 [tilespmem:s22], [sflag:$0x7], $0x80, s12, s21, $0xb8;
	[tilespmem:$0x1ED80] =	vst v63  }
0x38: {  	_ =	swait.ge [sflag:s29], $0x2000  }
0x39: {  	[sflag:s29] =	ssyncset.done $0x0  }
0x3a: {  	[sflag:s29] =	ssyncadd.s32 $0xFFFFE000  }
0x3b: {  	s13 =	simm.s32 $0x200;
	_ =	swait.ge [sflag:s20], $0x80  }
0x3c: {  	s14 =	sand.u32 $0xFC00, s13;
	[sflag:s20] =	ssyncset.done $0x0  }
0x3d: {  	s10 =	sadd.s32 s4, s14;
	s9 =	sand.u32 $0x380, s13;
	[sflag:s20] =	ssyncadd.s32 $0xFFFFFF80  }
0x3e: {  	[tilespmem:s22], [sflag:$0x4] =	stream.indirect.gather [hbm4b:s1+s21], $0x80, s17, s21, $0xb8;
	[tilespmem:$0x1ED80] =	vst v63  }
0x3f: {  	s9 =	sor.u32 s9, s10;
	_ =	swait.ge [sflag:s30], $0x2000  }
0x40: {  	s9 =	sshrl.u32 s9, $0x3;
	[sflag:s30] =	ssyncset.done $0x0  }
0x41: {  	s9 =	sadd.s32 s6, s9;
	[sflag:s30] =	ssyncadd.s32 $0xFFFFE000  }
0x42: {  	[tilespmem:s18], [sflag:$0x2] =	stream.linear.gather [hbm4b:s9+s5], $0x80, $0x38;
	[tilespmem:$0x1ED80] =	vst v63  }
0x43: {  	s10 =	simm.s32 $0x80  }
0x44: {  	[spmem:s3] =	stream.indirect.scatter.add.f32 [tilespmem:s24], [sflag:$0x8], $0x80, s10, s21, $0xb8;
	[tilespmem:$0x1ED80] =	vst v63  }
0x45: {  	_ =	swait.ge [sflag:s31], $0x2000  }
0x46: {  	[sflag:s31] =	ssyncset.done $0x0  }
0x47: {  	[sflag:s31] =	ssyncadd.s32 $0xFFFFE000  }
0x48: {  	s11 =	simm.s32 $0x280;
	_ =	swait.ge [sflag:s23], $0x80  }
0x49: {  	s12 =	sand.u32 $0xFC00, s11;
	[sflag:s23] =	ssyncset.done $0x0  }
0x4a: {  	s9 =	sand.u32 $0x380, s11;
	s10 =	sadd.s32 s4, s12;
	[sflag:s23] =	ssyncadd.s32 $0xFFFFFF80  }
0x4b: {  	[tilespmem:s24], [sflag:$0x5] =	stream.indirect.gather [hbm4b:s1+s21], $0x80, s18, s21, $0xb8;
	[tilespmem:$0x1ED80] =	vst v63  }
0x4c: {  	s9 =	sor.u32 s9, s10;
	_ =	swait.ge [sflag:s2], $0x2000  }
0x4d: {  	s9 =	sshrl.u32 s9, $0x3;
	[sflag:s2] =	ssyncset.done $0x0  }
0x4e: {  	s9 =	sadd.s32 s6, s9;
	[sflag:s2] =	ssyncadd.s32 $0xFFFFE000  }
0x4f: {  	[tilespmem:s19], [sflag:$0x3] =	stream.linear.gather [hbm4b:s9+s5], $0x80, $0x38;
	[tilespmem:$0x1ED80] =	vst v63  }
0x50: {  	s11 =	simm.s32 $0x100  }
0x51: {  	[spmem:s3] =	stream.indirect.scatter.add.f32 [tilespmem:s26], [sflag:$0x9], $0x80, s11, s21, $0xb8;
	[tilespmem:$0x1ED80] =	vst v63  }
0x52: {  	s13 =	simm.s32 $0x300;
	_ =	swait.ge [sflag:s0], $0x2000  }
0x53: {  	s14 =	sand.u32 $0xFC00, s13;
	[sflag:s0] =	ssyncset.done $0x0  }
0x54: {  	s12 =	sadd.s32 s4, s14;
	s9 =	sand.u32 $0x380, s13;
	[sflag:s0] =	ssyncadd.s32 $0xFFFFE000  }
0x55: {  	s10 =	simm.s32 $0x400;
	s9 =	sor.u32 s9, s12;
	_ =	swait.ge [sflag:s25], $0x80  }
0x56: {  	s12 =	simm.s32 $0x580;
	s14 =	sshrl.u32 s9, $0x3;
	[sflag:s25] =	ssyncset.done $0x0  }
.LBB2_2:
0x57: {  	[sflag:s25] =	ssyncadd.s32 $0xFFFFFF80  }
0x58: {  	s11 =	sadd.s32 $0x180, s11;
	s13 =	smov.u32 s12;
	s9 =	sadd.s32 $0x180, s12  }
0x59: {  	[tilespmem:s26], [sflag:$0x6] =	stream.indirect.gather [hbm4b:s1+s21], $0x80, s19, s21, $0xb8;
	[tilespmem:$0x1ED80] =	vst v63  }
0x5a: {  	p0 =	sne.s32 s12, $0x4F00;
	_ =	swait.ge [sflag:s28], $0x2000  }
0x5b: {  	s12 =	sadd.s32 s6, s14;
	[sflag:s28] =	ssyncset.done $0x0  }
0x5c: {  	[sflag:s28] =	ssyncadd.s32 $0xFFFFE000  }
0x5d: {  	[tilespmem:s17], [sflag:$0x1] =	stream.linear.gather [hbm4b:s12+s5], $0x80, $0x38;
	[tilespmem:$0x1ED80] =	vst v63  }
0x5e: {  	s12 =	sadd.s32 $0xFFFFFF00, s11  }
0x5f: {  	[spmem:s3] =	stream.indirect.scatter.add.f32 [tilespmem:s22], [sflag:$0x7], $0x80, s12, s21, $0xb8;
	[tilespmem:$0x1ED80] =	vst v63  }
0x60: {  	_ =	swait.ge [sflag:s29], $0x2000  }
0x61: {  	[sflag:s29] =	ssyncset.done $0x0  }
0x62: {  	[sflag:s29] =	ssyncadd.s32 $0xFFFFE000  }
0x63: {  	s12 =	sadd.s32 $0xFFFFFF80, s10;
	_ =	swait.ge [sflag:s20], $0x80  }
0x64: {  	s14 =	sand.u32 $0xFC00, s12;
	s12 =	sand.u32 $0x380, s12;
	[sflag:s20] =	ssyncset.done $0x0  }
0x65: {  	s14 =	sadd.s32 s4, s14;
	[sflag:s20] =	ssyncadd.s32 $0xFFFFFF80  }
0x66: {  	[tilespmem:s22], [sflag:$0x4] =	stream.indirect.gather [hbm4b:s1+s21], $0x80, s17, s21, $0xb8;
	[tilespmem:$0x1ED80] =	vst v63  }
0x67: {  	s12 =	sor.u32 s12, s14;
	_ =	swait.ge [sflag:s30], $0x2000  }
0x68: {  	s12 =	sshrl.u32 s12, $0x3;
	[sflag:s30] =	ssyncset.done $0x0  }
0x69: {  	s14 =	sadd.s32 $0xFFFFFF80, s11;
	s12 =	sadd.s32 s6, s12;
	[sflag:s30] =	ssyncadd.s32 $0xFFFFE000  }
0x6a: {  	[tilespmem:s18], [sflag:$0x2] =	stream.linear.gather [hbm4b:s12+s5], $0x80, $0x38;
	[tilespmem:$0x1ED80] =	vst v63  }
0x6b: {  	_ = 	snop  }
0x6c: {  	[spmem:s3] =	stream.indirect.scatter.add.f32 [tilespmem:s24], [sflag:$0x8], $0x80, s14, s21, $0xb8;
	[tilespmem:$0x1ED80] =	vst v63  }
0x6d: {  	_ =	swait.ge [sflag:s31], $0x2000  }
0x6e: {  	[sflag:s31] =	ssyncset.done $0x0  }
0x6f: {  	[sflag:s31] =	ssyncadd.s32 $0xFFFFE000  }
0x70: {  	_ =	swait.ge [sflag:s23], $0x80  }
0x71: {  	s12 =	sand.u32 $0xFC00, s10;
	[sflag:s23] =	ssyncset.done $0x0  }
0x72: {  	s10 =	sand.u32 $0x380, s10;
	s12 =	sadd.s32 s4, s12;
	[sflag:s23] =	ssyncadd.s32 $0xFFFFFF80  }
0x73: {  	[tilespmem:s24], [sflag:$0x5] =	stream.indirect.gather [hbm4b:s1+s21], $0x80, s18, s21, $0xb8;
	[tilespmem:$0x1ED80] =	vst v63  }
0x74: {  	s12 =	sor.u32 s10, s12;
	s10 =	smov.u32 s13;
	_ =	swait.ge [sflag:s2], $0x2000  }
0x75: {  	s12 =	sshrl.u32 s12, $0x3;
	[sflag:s2] =	ssyncset.done $0x0  }
0x76: {  	s12 =	sadd.s32 s6, s12;
	[sflag:s2] =	ssyncadd.s32 $0xFFFFE000  }
0x77: {  	[tilespmem:s19], [sflag:$0x3] =	stream.linear.gather [hbm4b:s12+s5], $0x80, $0x38;
	[tilespmem:$0x1ED80] =	vst v63  }
0x78: {  	_ = 	snop  }
0x79: {  	[spmem:s3] =	stream.indirect.scatter.add.f32 [tilespmem:s26], [sflag:$0x9], $0x80, s11, s21, $0xb8;
	[tilespmem:$0x1ED80] =	vst v63  }
.Ltmp0:
0x7a: {  	s12 =	sadd.s32 $0xFFFFFF00, s10;
	_ =	swait.ge [sflag:s0], $0x2000;
	(pc) =	sbr.rel @p0 .LBB2_2-.Ltmp0, $4  }
0x7b: {  	s13 =	sand.u32 $0xFC00, s12;
	s12 =	sand.u32 $0x380, s12;
	[sflag:s0] =	ssyncset.done $0x0  }
0x7c: {  	s13 =	sadd.s32 s4, s13;
	[sflag:s0] =	ssyncadd.s32 $0xFFFFE000  }
0x7d: {  	s12 =	sor.u32 s12, s13;
	_ =	swait.ge [sflag:s25], $0x80  }
0x7e: {  	s14 =	sshrl.u32 s12, $0x3;
	s12 =	smov.u32 s9;
	[sflag:s25] =	ssyncset.done $0x0  }
0x7f: {  	[sflag:s25] =	ssyncadd.s32 $0xFFFFFF80  }
0x80: {  	[tilespmem:s26], [sflag:$0x6] =	stream.indirect.gather [hbm4b:s1+s21], $0x80, s19, s21, $0xb8;
	[tilespmem:$0x1ED80] =	vst v63  }
0x81: {  	_ =	swait.ge [sflag:s28], $0x2000  }
0x82: {  	[sflag:s28] =	ssyncset.done $0x0  }
0x83: {  	s9 =	sadd.s32 $0x180, s11;
	s12 =	sadd.s32 s6, s14;
	[sflag:s28] =	ssyncadd.s32 $0xFFFFE000  }
0x84: {  	[tilespmem:s17], [sflag:$0x1] =	stream.linear.gather [hbm4b:s12+s5], $0x80, $0x38;
	[tilespmem:$0x1ED80] =	vst v63  }
0x85: {  	s13 =	sadd.s32 $0xFFFFFF00, s9  }
0x86: {  	[spmem:s3] =	stream.indirect.scatter.add.f32 [tilespmem:s22], [sflag:$0x7], $0x80, s13, s21, $0xb8;
	[tilespmem:$0x1ED80] =	vst v63  }
0x87: {  	_ =	swait.ge [sflag:s29], $0x2000  }
0x88: {  	[sflag:s29] =	ssyncset.done $0x0  }
0x89: {  	[sflag:s29] =	ssyncadd.s32 $0xFFFFE000  }
0x8a: {  	s14 =	sadd.s32 $0xFFFFFF80, s10;
	_ =	swait.ge [sflag:s20], $0x80  }
0x8b: {  	s12 =	sand.u32 $0xFC00, s14;
	[sflag:s20] =	ssyncset.done $0x0  }
0x8c: {  	s11 =	sand.u32 $0x380, s14;
	s12 =	sadd.s32 s4, s12;
	[sflag:s20] =	ssyncadd.s32 $0xFFFFFF80  }
0x8d: {  	[tilespmem:s22], [sflag:$0x4] =	stream.indirect.gather [hbm4b:s1+s21], $0x80, s17, s21, $0xb8;
	[tilespmem:$0x1ED80] =	vst v63  }
0x8e: {  	s11 =	sor.u32 s11, s12;
	_ =	swait.ge [sflag:s30], $0x2000  }
0x8f: {  	s11 =	sshrl.u32 s11, $0x3;
	[sflag:s30] =	ssyncset.done $0x0  }
0x90: {  	s11 =	sadd.s32 s6, s11;
	[sflag:s30] =	ssyncadd.s32 $0xFFFFE000  }
0x91: {  	[tilespmem:s18], [sflag:$0x2] =	stream.linear.gather [hbm4b:s11+s5], $0x80, $0x38;
	[tilespmem:$0x1ED80] =	vst v63  }
0x92: {  	s12 =	sadd.s32 $0xFFFFFF80, s9  }
0x93: {  	[spmem:s3] =	stream.indirect.scatter.add.f32 [tilespmem:s24], [sflag:$0x8], $0x80, s12, s21, $0xb8;
	[tilespmem:$0x1ED80] =	vst v63  }
0x94: {  	_ =	swait.ge [sflag:s31], $0x2000  }
0x95: {  	[sflag:s31] =	ssyncset.done $0x0  }
0x96: {  	[sflag:s31] =	ssyncadd.s32 $0xFFFFE000  }
0x97: {  	_ =	swait.ge [sflag:s23], $0x80  }
0x98: {  	s13 =	sand.u32 $0xFC00, s10;
	[sflag:s23] =	ssyncset.done $0x0  }
0x99: {  	s14 =	sand.u32 $0x380, s10;
	s11 =	sadd.s32 s4, s13;
	[sflag:s23] =	ssyncadd.s32 $0xFFFFFF80  }
0x9a: {  	[tilespmem:s24], [sflag:$0x5] =	stream.indirect.gather [hbm4b:s1+s21], $0x80, s18, s21, $0xb8;
	[tilespmem:$0x1ED80] =	vst v63  }
0x9b: {  	s10 =	sor.u32 s14, s11;
	_ =	swait.ge [sflag:s2], $0x2000  }
0x9c: {  	s10 =	sshrl.u32 s10, $0x3;
	[sflag:s2] =	ssyncset.done $0x0  }
0x9d: {  	s10 =	sadd.s32 s6, s10;
	[sflag:s2] =	ssyncadd.s32 $0xFFFFE000  }
0x9e: {  	[tilespmem:s19], [sflag:$0x3] =	stream.linear.gather [hbm4b:s10+s5], $0x80, $0x38;
	[tilespmem:$0x1ED80] =	vst v63  }
0x9f: {  	_ = 	snop  }
0xa0: {  	[spmem:s3] =	stream.indirect.scatter.add.f32 [tilespmem:s26], [sflag:$0x9], $0x80, s9, s21, $0xb8;
	[tilespmem:$0x1ED80] =	vst v63  }
0xa1: {  	_ =	swait.ge [sflag:s0], $0x2000  }
0xa2: {  	[sflag:s0] =	ssyncset.done $0x0  }
0xa3: {  	[sflag:s0] =	ssyncadd.s32 $0xFFFFE000  }
0xa4: {  	_ =	swait.ge [sflag:s25], $0x80  }
0xa5: {  	[sflag:s25] =	ssyncset.done $0x0  }
0xa6: {  	[sflag:s25] =	ssyncadd.s32 $0xFFFFFF80  }
0xa7: {  	[tilespmem:s26], [sflag:$0x6] =	stream.indirect.gather [hbm4b:s1+s21], $0x80, s19, s21, $0xb8;
	[tilespmem:$0x1ED80] =	vst v63  }
0xa8: {  	_ =	swait.ge [sflag:s28], $0x2000  }
0xa9: {  	[sflag:s28] =	ssyncset.done $0x0  }
0xaa: {  	s10 =	simm.s32 $0x4E00;
	[sflag:s28] =	ssyncadd.s32 $0xFFFFE000  }
0xab: {  	[spmem:s3] =	stream.indirect.scatter.add.f32 [tilespmem:s22], [sflag:$0x7], $0x80, s10, s21, $0xb8;
	[tilespmem:$0x1ED80] =	vst v63  }
0xac: {  	_ =	swait.ge [sflag:s30], $0x2000  }
0xad: {  	[sflag:s30] =	ssyncset.done $0x0  }
0xae: {  	s11 =	simm.s32 $0x4E80;
	[sflag:s30] =	ssyncadd.s32 $0xFFFFE000  }
0xaf: {  	[spmem:s3] =	stream.indirect.scatter.add.f32 [tilespmem:s24], [sflag:$0x8], $0x80, s11, s21, $0xb8;
	[tilespmem:$0x1ED80] =	vst v63  }
0xb0: {  	_ =	swait.ge [sflag:s2], $0x2000  }
0xb1: {  	[sflag:s2] =	ssyncset.done $0x0  }
0xb2: {  	s12 =	simm.s32 $0x4F00;
	[sflag:s2] =	ssyncadd.s32 $0xFFFFE000  }
0xb3: {  	[spmem:s3] =	stream.indirect.scatter.add.f32 [tilespmem:s26], [sflag:$0x9], $0x80, s12, s21, $0xb8;
	[tilespmem:$0x1ED80] =	vst v63  }
0xb4: {  	_ =	swait.ge [sflag:s29], $0x2000  }
0xb5: {  	[sflag:s29] =	ssyncset.done $0x0  }
0xb6: {  	[sflag:s29] =	ssyncadd.s32 $0xFFFFE000  }
0xb7: {  	_ =	swait.ge [sflag:s31], $0x2000  }
0xb8: {  	[sflag:s31] =	ssyncset.done $0x0  }
0xb9: {  	[sflag:s31] =	ssyncadd.s32 $0xFFFFE000  }
0xba: {  	_ =	swait.ge [sflag:s0], $0x2000  }
0xbb: {  	[sflag:s0] =	ssyncset.done $0x0  }
0xbc: {  	[sflag:s0] =	ssyncadd.s32 $0xFFFFE000  }
0xbd: {  	[bflag:$0x0] =	sbarrier.arrive $0xFFFF  }
0xbe: {  	s13 =	rddreg [dreg:$0x9]  }
0xbf: {  	[hbm:s13], [sflag:s8] =	dma.local [spmem:s15], $0x2780  }
0xc0: {  	_ =	swait.ge [sflag:s16], $0x2780  }
0xc1: {  	s7 =	sadd.s32 $0x1, s7;
	s14 =	rddreg [dreg:$0xa]  }
0xc2: {  	p0 =	sne.s32 s7, s14  }
.Ltmp1:
0xc3: {  	_ = 	snop;
	(pc) =	sbr.rel @p0 .LBB2_1-.Ltmp1, $3  }
0xc4: {  	_ =	sdelay $0x1  }
0xc5: {  	[sflag:s16] =	ssyncset.done $0x0  }
0xc6: {  	[sflag:s16] =	ssyncadd.s32 $0xFFFFD880  }
0xc7: {  	_ =	sfence.sel $0x180000  }
0xc8: {  	[bflag:$0x0] =	sbarrier.arrive $0xFFFF  }
0xc9: {  	_ =	strace $0x90000047  }
0xca: {  	s0 =	stileid.u32;
	[bflag:$0x2] =	sbarrier.arrive $0xFFFF  }
0xcb: {  	p0 =	sne.s32 s0, $0x0;
	s0 =	rddreg [dreg:$0x3]  }
0xcc: {  	s0 =	sadd.s32 @!p0 $0x100000, s0  }
0xcd: {  	[sflag:s0] =	ssyncadd.tile.s32 @!p0 $0x1;
	_ =	shalt  }
.Lfunc_end2:
_tile_overlayer_lowered:
.L_overlay_start_2:
0xce: {  	(tag) =	ssettag $0x2  }
0xcf: {  	s0 =	rddreg [dreg:$0x0];
	s2 =	stileid.u32  }
0xd0: {  	s1 =	rddreg [dreg:$0x1];
	p0 =	sne.s32 s2, $0x0  }
0xd1: {  	s3 =	rddreg [dreg:$0x2];
	[bflag:$0x3] =	sbarrier.arrive $0xFFFF;
	s2 =	simm.s32 @!p0 $0x1C0A  }
0xd2: {  	[timem:s3], [sflag:s2] =	dma.local @!p0 [hbm:s0], s1  }
0xd3: {  	s0 =	simm.s32 @!p0 $0xA  }
0xd4: {  	_ =	swait.ge @!p0 [sflag:s0], s1  }
0xd5: {  	s1 =	ssub.s32 @!p0 $0x0, s1;
	[sflag:s0] =	ssyncset.done @!p0 $0x0  }
0xd6: {  	[sflag:s0] =	ssyncadd.s32 @!p0 s1  }
0xd7: {  	[bflag:$0x3] =	sbarrier.arrive $0xFFFF  }
0xd8: {  	_ =	shalt  }

// kernel: sc_edge_aggregate.7.cloned.1.call-start
scs
__scs_entry_jumppad:
0x0: {  	(pc) =	sbr.rel $0x88, $3  }
0x1: {  	(tag) =	ssettag $0x0;
	lr =	simm.s32 $0x1  }
0x2: {  	[smem:$0x3F94] =	sst lr;
	_ =	strace $0xD0000000  }
0x3: {  	_ = 	snop  }
0x4: {  	_ = 	snop  }
0x5: {  	_ = 	snop  }
0x6: {  	_ = 	snop  }
0x7: {  	_ = 	snop  }
__scs_overlays_trampoline_lowered:
0x8: {  	[smem:$0x3FA3] =	sst s0  }
0x9: {  	[smem:$0x3FA4] =	sst s1  }
0xa: {  	[smem:$0x3FA5] =	sst s2  }
0xb: {  	[smem:$0x3FA6] =	sst s3  }
0xc: {  	[smem:$0x3FA7] =	sst s4  }
0xd: {  	[smem:$0x3FA8] =	sst s5  }
0xe: {  	[smem:$0x3FA9] =	sst s6  }
0xf: {  	[smem:$0x3FAA] =	sst s7  }
0x10: {  	[smem:$0x3FAB] =	sst s8  }
0x11: {  	[smem:$0x3FAC] =	sst s9;
	s0 =	simm.s32 @!p0 $0x0  }
0x12: {  	s1 =	sld [smem:$0x3F92];
	s0 =	simm.s32 @p0 $0x1  }
0x13: {  	[smem:$0x3FAD] =	sst s0;
	s0 =	simm.s32 @!p1 $0x0  }
0x14: {  	s2 =	sld [smem:$0x3F91];
	s0 =	simm.s32 @p1 $0x1  }
0x15: {  	[smem:$0x3FAE] =	sst s0;
	s0 =	simm.s32 @!p2 $0x0  }
0x16: {  	s3 =	sld [smem:$0x3FDB];
	s0 =	simm.s32 @p2 $0x1  }
0x17: {  	s4 =	simm.s32 $0x1BF5;
	[smem:$0x3FB0] =	sst s0  }
0x18: {  	s0 =	sld [smem:$0x3F93];
	_ =	swait.ge [sflag:s4], $0x0  }
0x19: {  	s7 =	sld [smem:$0x3F94]  }
0x1a: {  	s8 =	sadd.s32 $0xFFFFE003, lr  }
0x1b: {  	s9 =	sadd.s32 $0xFFFFFEF7, lr;
	s5 =	simm.s32 $0xFFFFFFFF;
	p2 =	slt.u32 s8, $0xFFFFF086  }
0x1c: {  	p1 =	slt.u32 s9, $0xF7A;
	s5 =	simm.s32 @!p2 $0x0  }
0x1d: {  	s5 =	simm.s32 @p1 $0x1;
	p0 =	seq.s32 s7, s2  }
0x1e: {  	s7 =	smul.u32 @!p0 $0xF7A, s2;
	p2 =	seq.s32 @!p0 s5, $0x0  }
0x1f: {  	s9 =	smul.u32 $0xF7A, s1;
	s8 =	simm.s32 @!p0 $0x1BF5;
	p2 =	por !p2, p0  }
0x20: {  	[sflag:s8] =	ssyncset.s32 @!p0 $0xFFFFF086;
	s6 =	sadd.s32 @!p0 s3, s7;
	s7 =	simm.s32 @!p0 $0x108  }
0x21: {  	s3 =	sadd.s32 s3, s9;
	s6 =	sadd.s32 @!p0 $0x88, s6;
	s7 =	simm.s32 @p2 $0x1082  }
0x22: {  	[simem:s7], [sflag:s8] =	dma.local @!p0 [hbm:s6], $0xF7A  }
0x23: {  	s9 =	sor.u32 $0xD0000000, s2;
	s6 =	simm.s32 $0x108;
	_ =	swait.ge @!p0 [sflag:s8], $0x0  }
0x24: {  	s3 =	sadd.s32 $0x88, s3;
	s6 =	simm.s32 @!p1 $0x1082;
	[sflag:s4] =	ssyncset.s32 $0xFFFFF086  }
0x25: {  	[simem:s6], [sflag:s4] =	dma.local [hbm:s3], $0xF7A  }
0x26: {  	[smem:$0x3F94] =	sst s1;
	(tag) =	ssettag s2;
	_ =	strace s9  }
0x27: {  	s1 =	sld [smem:$0x3FA4]  }
0x28: {  	s2 =	sld [smem:$0x3FA5]  }
0x29: {  	s4 =	sld [smem:$0x3FA7]  }
0x2a: {  	p0 =	seq.s32 s5, $0x0;
	s5 =	sld [smem:$0x3FA8]  }
0x2b: {  	s6 =	sld [smem:$0x3FA9]  }
0x2c: {  	s7 =	sld [smem:$0x3FAA]  }
0x2d: {  	s3 =	simm.s32 $0x108;
	s8 =	sld [smem:$0x3FAB]  }
0x2e: {  	s3 =	simm.s32 @!p0 $0x1082;
	s9 =	sld [smem:$0x3FAC]  }
0x2f: {  	lr =	sadd.s32 s0, s3;
	s0 =	sld [smem:$0x3FA3]  }
0x30: {  	s3 =	sld [smem:$0x3FA6]  }
0x31: {  	[smem:$0x3FAF] =	sst s10  }
0x32: {  	s10 =	sld [smem:$0x3FAD];
	_ =	sdelay $0x3  }
0x33: {  	p0 =	seq.s32 s10, $0x1;
	s10 =	sld [smem:$0x3FAF];
	_ =	sdelay $0x3  }
0x34: {  	[smem:$0x3FAF] =	sst s10  }
0x35: {  	s10 =	sld [smem:$0x3FAE];
	_ =	sdelay $0x3  }
0x36: {  	p1 =	seq.s32 s10, $0x1;
	s10 =	sld [smem:$0x3FAF];
	_ =	sdelay $0x3  }
0x37: {  	[smem:$0x3FAF] =	sst s10  }
0x38: {  	s10 =	sld [smem:$0x3FB0]  }
0x39: {  	_ = 	snop;
	(pc) =	sbr.ind lr, $3  }
0x3a: {  	_ = 	snop  }
0x3b: {  	_ = 	snop  }
0x3c: {  	p2 =	seq.s32 s10, $0x1;
	s10 =	sld [smem:$0x3FAF]  }
0x3d: {  	_ =	shalt  }
0x3e: {  	_ =	shalt  }
0x3f: {  	_ =	shalt  }
0x40: {  	_ =	shalt  }
0x41: {  	_ =	shalt  }
0x42: {  	_ =	shalt  }
0x43: {  	_ =	shalt  }
0x44: {  	_ =	shalt  }
0x45: {  	_ =	shalt  }
0x46: {  	_ =	shalt  }
0x47: {  	_ =	shalt  }
0x48: {  	_ =	shalt  }
0x49: {  	_ =	shalt  }
0x4a: {  	_ =	shalt  }
0x4b: {  	_ =	shalt  }
0x4c: {  	_ =	shalt  }
0x4d: {  	_ =	shalt  }
0x4e: {  	_ =	shalt  }
0x4f: {  	_ =	shalt  }
0x50: {  	_ =	shalt  }
0x51: {  	_ =	shalt  }
0x52: {  	_ =	shalt  }
0x53: {  	_ =	shalt  }
0x54: {  	_ =	shalt  }
0x55: {  	_ =	shalt  }
0x56: {  	_ =	shalt  }
0x57: {  	_ =	shalt  }
0x58: {  	_ =	shalt  }
0x59: {  	_ =	shalt  }
0x5a: {  	_ =	shalt  }
0x5b: {  	_ =	shalt  }
0x5c: {  	_ =	shalt  }
0x5d: {  	_ =	shalt  }
0x5e: {  	_ =	shalt  }
0x5f: {  	_ =	shalt  }
0x60: {  	_ =	shalt  }
0x61: {  	_ =	shalt  }
0x62: {  	_ =	shalt  }
0x63: {  	_ =	shalt  }
0x64: {  	_ =	shalt  }
0x65: {  	_ =	shalt  }
0x66: {  	_ =	shalt  }
0x67: {  	_ =	shalt  }
0x68: {  	_ =	shalt  }
0x69: {  	_ =	shalt  }
0x6a: {  	_ =	shalt  }
0x6b: {  	_ =	shalt  }
0x6c: {  	_ =	shalt  }
0x6d: {  	_ =	shalt  }
0x6e: {  	_ =	shalt  }
0x6f: {  	_ =	shalt  }
0x70: {  	_ =	shalt  }
0x71: {  	_ =	shalt  }
0x72: {  	_ =	shalt  }
0x73: {  	_ =	shalt  }
0x74: {  	_ =	shalt  }
0x75: {  	_ =	shalt  }
0x76: {  	_ =	shalt  }
0x77: {  	_ =	shalt  }
0x78: {  	_ =	shalt  }
0x79: {  	_ =	shalt  }
0x7a: {  	_ =	shalt  }
0x7b: {  	_ =	shalt  }
0x7c: {  	_ =	shalt  }
0x7d: {  	_ =	shalt  }
0x7e: {  	_ =	shalt  }
0x7f: {  	_ =	shalt  }
0x80: {  	_ =	shalt  }
0x81: {  	_ =	shalt  }
0x82: {  	_ =	shalt  }
0x83: {  	_ =	shalt  }
0x84: {  	_ =	shalt  }
0x85: {  	_ =	shalt  }
0x86: {  	_ =	shalt  }
0x87: {  	_ =	shalt  }
.Lfunc_end0:
.L_simem_size_0:
called_computation.1_lowered:
.L_overlay_start_0:
0x88: {  	s2 =	sld [smem:$0x3FD9]  }
0x89: {  	s3 =	sld [smem:$0x3FFE];
	_ =	sdelay $0x1  }
0x8a: {  	s1 =	srdreg.scid  }
0x8b: {  	s0 =	sand.u32 $0x1, s1  }
0x8c: {  	s17 =	sshll.u32 s0, $0xA;
	s2 =	sadd.s32 s3, s2  }
0x8d: {  	s2 =	sadd.s32 s2, s17  }
0x8e: {  	[smem:$0x3FBB] =	sst s2  }
0x8f: {  	_ = 	snop  }
0x90: {  	s2 =	sld [smem:$0x3FD0];
	(tm) =	ssettm $0x1  }
0x91: {  	s18 =	sld [smem:$0x3FFB];
	_ =	sdelay $0x3  }
0x92: {  	_ =	strace s18  }
0x93: {  	s3 =	sld [smem:$0x3FFC];
	_ =	sdelay $0x3  }
0x94: {  	_ =	strace s3  }
0x95: {  	s3 =	sld [smem:$0x3FFD];
	_ =	sdelay $0x3  }
0x96: {  	_ =	strace s3  }
0x97: {  	_ =	strace $0x8FFFFFFF  }
0x98: {  	s19 =	sld [smem:$0x3FDB];
	_ =	sdelay $0x1  }
0x99: {  	s4 =	simm.s32 $_scs_section_size  }
0x9a: {  	s5 =	simm.s32 $_size__tile_overlayer_lowered;
	s6 =	simm.s32 $_tile_overlayer_lowered  }
0x9b: {  	s22 =	simm.s32 $0x1BFF;
	s21 =	sshll.u32 s6, $0x1;
	s3 =	sadd.s32 s4, s19  }
0x9c: {  	s7 =	simm.s32 $0x0;
	s20 =	sshll.u32 s5, $0x1;
	s5 =	sadd.s32 s21, s3  }
0x9d: {  	[timem:s7], [sflag:s22] =	dma.local [hbm:s5], s20  }
0x9e: {  	_ =	swait.ge [sflag:s22], s20  }
0x9f: {  	s4 =	ssub.s32 $0x0, s20;
	[sflag:s22] =	ssyncset.done $0x0  }
0xa0: {  	[sflag:s22] =	ssyncadd.s32 s4;
	_ =	sdelay $0x1  }
0xa1: {  	s23 =	simm.s32 $0x1B8B  }
0xa2: {  	_ =	swait.ge [sflag:s23], $0x1  }
0xa3: {  	[sflag:s23] =	ssyncset.done $0x0  }
0xa4: {  	s25 =	simm.s32 $0x1B8E;
	s24 =	sld [smem:$0x3FFE];
	[sflag:s23] =	ssyncadd.s32 $0xFFFFFFFF  }
0xa5: {  	s26 =	simm.s32 $execute0_lowered;
	[smem:$0x3FD2] =	sst s25  }
0xa6: {  	s5 =	sshll.u32 s26, $0x1;
	_ =	strace $0x80000049;
	[dreg:$0x1] =	wrdreg $0xFFFFFFFF  }
0xa7: {  	s28 =	simm.s32 $_size_execute0_lowered;
	s3 =	sadd.s32 s3, s5;
	[dreg:$0x0] =	wrdreg $0x0  }
0xa8: {  	s5 =	sshll.u32 s28, $0x1;
	[dreg:$0x2] =	wrdreg s3  }
0xa9: {  	[dreg:$0x3] =	wrdreg s5  }
0xaa: {  	[dreg:$0x4] =	wrdreg $0xC0  }
0xab: {  	_ =	task [dreg:s7], $0x5FFFF  }
0xac: {  	[dreg:$0x1] =	wrdreg $0xFFFFFFFF  }
0xad: {  	[dreg:$0x0] =	wrdreg $0x60  }
0xae: {  	[dreg:$0x2] =	wrdreg s2  }
0xaf: {  	[dreg:$0x3] =	wrdreg s24  }
0xb0: {  	[dreg:$0x4] =	wrdreg $0xB1800  }
0xb1: {  	[dreg:$0x5] =	wrdreg $0x9  }
0xb2: {  	_ =	task.clear_ibuf [dreg:s7], $0x6FFFF;
	_ =	strace $0x90000049  }
0xb3: {  	s29 =	simm.s32 $0x9;
	_ =	strace $0x8000004B  }
0xb4: {  	_ =	swait.ge [sflag:s29], $0x1  }
0xb5: {  	[sflag:s29] =	ssyncadd.s32 $0xFFFFFFFF  }
0xb6: {  	_ =	strace $0x9000004B  }
0xb7: {  	_ =	sfence  }
0xb8: {  	s30 =	sld [smem:$0x0];
	_ =	sdelay $0x2  }
0xb9: {  	s31 =	sshll.u32 s1, $0xD;
	s1 =	sshrl.u32 s1, $0x2  }
0xba: {  	s3 =	sand.u32 $0x4000, s31;
	s1 =	sadd.s32 s1, s30  }
0xbb: {  	s0 =	sor.u32 s3, s0;
	s1 =	sshll.u32 s1, $0x11  }
0xbc: {  	s0 =	sor.u32 s1, s0  }
0xbd: {  	s0 =	sadd.s32 $0x8F2B, s0  }
0xbe: {  	[sflag:s0] =	ssyncadd.remote.s32 $0x1  }
0xbf: {  	_ =	sfence.sel $0xFFFF  }
0xc0: {  	[dreg:$0x0] =	wrdreg $0xFFFFFFFF;
	(pc) =	sbr.abs _section_cstart, $3  }
0xc1: {  	[dreg:$0x1] =	wrdreg $0xFFFFFFFF  }
0xc2: {  	_ =	task.clear_ibuf [dreg:s7], $0x2FFFF;
	_ =	strace $0x9FFFFFFF  }
0xc3: {  	(tm) =	ssettm $0x7FFFFFFF  }
tec
execute0_lowered:
.L_overlay_start_1:
0x0: {  	(tag) =	ssettag $0x1  }
0x1: {  	s0 =	srdreg.scid;
	s1 =	rddreg [dreg:$0x0]  }
0x2: {  	s11 =	stileid.u32;
	s7 =	rddreg [dreg:$0x1]  }
0x3: {  	s3 =	rddreg [dreg:$0x2];
	s5 =	simm.s32 $0x0;
	s16 =	simm.s32 $0xA  }
0x4: {  	s17 =	simm.s32 $0x5000;
	s18 =	simm.s32 $0x5080;
	s19 =	simm.s32 $0x5100  }
0x5: {  	s20 =	simm.s32 $0x1;
	s28 =	simm.s32 $0x4;
	s29 =	simm.s32 $0x7  }
0x6: {  	s30 =	simm.s32 $0x5;
	s31 =	simm.s32 $0x8;
	s0 =	sand.u32 $0x1, s0  }
0x7: {  	s2 =	sshll.u32 s11, $0x1;
	[smem:$0x7FF] =	sst s5;
	s8 =	smul.u32 $0x13C00, s11  }
0x8: {  	s6 =	sadd.s32 $0x3000, s7;
	s22 =	smul.u32 $0x4F000, s11;
	s12 =	sadd.s32 $0x2B000, s7  }
0x9: {  	s25 =	sshll.u32 s11, $0x6;
	s2 =	sor.u32 s0, s2;
	s21 =	smul.u32 $0x13C000, s0  }
0xa: {  	_ =	strace $0x8000004A;
	s0 =	ssub.s32 $0x2, s0;
	[dreg:$0x4] =	wrdreg s12  }
0xb: {  	s4 =	smul.u32 $0x5000, s2;
	s23 =	sshrl.u32 s0, $0x1;
	s24 =	sshrl.u32 s22, $0x2  }
0xc: {  	s22 =	simm.s32 $0x5180;
	s2 =	sadd.s32 s8, s21;
	s0 =	ssub.s32 s0, s23  }
0xd: {  	s8 =	sor.u32 $0x1C0A, s25;
	s21 =	simm.s32 $0x40;
	s23 =	simm.s32 $0x2  }
0xe: {  	s25 =	simm.s32 $0x3;
	s9 =	sshrl.u32 s4, $0x3;
	s2 =	sshrl.u32 s2, $0x3  }
0xf: {  	s0 =	smax.u32 s0, $0x1;
	s10 =	sadd.s32 s9, s7;
	s2 =	sadd.s32 s2, s7  }
0x10: {  	s7 =	sadd.s32 s24, s3;
	s9 =	sadd.s32 s6, s9;
	[dreg:$0xa] =	wrdreg s0  }
0x11: {  	s24 =	simm.s32 $0x7180;
	s10 =	sadd.s32 $0x17000, s10;
	[dreg:$0x5] =	wrdreg s9  }
0x12: {  	s0 =	simm.s32 $0x9;
	s26 =	sadd.s32 $0x10, s9;
	[dreg:$0x6] =	wrdreg s10  }
0x13: {  	s9 =	sadd.s32 $0x20, s9;
	s2 =	sadd.s32 $0x2D800, s2;
	[dreg:$0x7] =	wrdreg s26  }
0x14: {  	s15 =	sshrl.u32 s7, $0x3;
	s7 =	simm.s32 $0x0;
	[dreg:$0x8] =	wrdreg s9  }
0x15: {  	[dreg:$0x9] =	wrdreg s2;
	s26 =	simm.s32 $0x9180;
	s2 =	simm.s32 $0x6  }
.LBB2_1:
0x16: {  	s9 =	rddreg [dreg:$0x4]  }
0x17: {  	[spmem:s15], [sflag:s8] =	dma.local [hbm:s9], $0x2780  }
0x18: {  	_ =	swait.ge [sflag:s16], $0x2780  }
0x19: {  	[sflag:s16] =	ssyncset.done $0x0  }
0x1a: {  	s12 =	rddreg [dreg:$0x6];
	[sflag:s16] =	ssyncadd.s32 $0xFFFFD880  }
0x1b: {  	[tilespmem:s5], [sflag:$0xA] =	stream.linear.gather [hbm4b:s12+s5], $0x4F80, $0x38;
	[tilespmem:$0x1ED80] =	vst v63  }
0x1c: {  	_ =	swait.ge [sflag:s16], $0x4F80  }
0x1d: {  	[sflag:s16] =	ssyncset.done $0x0  }
0x1e: {  	[sflag:s16] =	ssyncadd.s32 $0xFFFFB080  }
0x1f: {  	[bflag:$0x0] =	sbarrier.arrive $0xFFFF  }
0x20: {  	s13 =	rddreg [dreg:$0x5]  }
0x21: {  	[tilespmem:s17], [sflag:$0x1] =	stream.linear.gather [hbm4b:s13+s5], $0x80, $0x38;
	[tilespmem:$0x1ED80] =	vst v63  }
0x22: {  	s14 =	rddreg [dreg:$0x7]  }
0x23: {  	[tilespmem:s18], [sflag:$0x2] =	stream.linear.gather [hbm4b:s14+s5], $0x80, $0x38;
	[tilespmem:$0x1ED80] =	vst v63  }
0x24: {  	s10 =	rddreg [dreg:$0x8]  }
0x25: {  	[tilespmem:s19], [sflag:$0x3] =	stream.linear.gather [hbm4b:s10+s5], $0x80, $0x38;
	[tilespmem:$0x1ED80] =	vst v63  }
0x26: {  	_ =	swait.ge [sflag:s20], $0x80  }
0x27: {  	[sflag:s20] =	ssyncset.done $0x0  }
0x28: {  	[sflag:s20] =	ssyncadd.s32 $0xFFFFFF80  }
0x29: {  	[tilespmem:s22], [sflag:$0x4] =	stream.indirect.gather [hbm4b:s1+s21], $0x80, s17, s21, $0xb8;
	[tilespmem:$0x1ED80] =	vst v63  }
0x2a: {  	_ =	swait.ge [sflag:s23], $0x80  }
0x2b: {  	[sflag:s23] =	ssyncset.done $0x0  }
0x2c: {  	[sflag:s23] =	ssyncadd.s32 $0xFFFFFF80  }
0x2d: {  	[tilespmem:s24], [sflag:$0x5] =	stream.indirect.gather [hbm4b:s1+s21], $0x80, s18, s21, $0xb8;
	[tilespmem:$0x1ED80] =	vst v63  }
0x2e: {  	s11 =	simm.s32 $0x180;
	_ =	swait.ge [sflag:s25], $0x80  }
0x2f: {  	s10 =	sand.u32 $0xFC00, s11;
	[sflag:s25] =	ssyncset.done $0x0  }
0x30: {  	s9 =	sand.u32 $0x380, s11;
	s10 =	sadd.s32 s4, s10;
	[sflag:s25] =	ssyncadd.s32 $0xFFFFFF80  }
0x31: {  	[tilespmem:s26], [sflag:$0x6] =	stream.indirect.gather [hbm4b:s1+s21], $0x80, s19, s21, $0xb8;
	[tilespmem:$0x1ED80] =	vst v63  }
0x32: {  	s9 =	sor.u32 s9, s10;
	_ =	swait.ge [sflag:s28], $0x2000  }
0x33: {  	s9 =	sshrl.u32 s9, $0x3;
	[sflag:s28] =	ssyncset.done $0x0  }
0x34: {  	s9 =	sadd.s32 s6, s9;
	[sflag:s28] =	ssyncadd.s32 $0xFFFFE000  }
0x35: {  	[tilespmem:s17], [sflag:$0x1] =	stream.linear.gather [hbm4b:s9+s5], $0x80, $0x38;
	[tilespmem:$0x1ED80] =	vst v63  }
0x36: {  	s12 =	simm.s32 $0x0  }
0x37: {  	[spmem:s3] =	stream.indirect.scatter.add.f32 [tilespmem:s22], [sflag:$0x7], $0x80, s12, s21, $0xb8;
	[tilespmem:$0x1ED80] =	vst v63  }
0x38: {  	_ =	swait.ge [sflag:s29], $0x2000  }
0x39: {  	[sflag:s29] =	ssyncset.done $0x0  }
0x3a: {  	[sflag:s29] =	ssyncadd.s32 $0xFFFFE000  }
0x3b: {  	s13 =	simm.s32 $0x200;
	_ =	swait.ge [sflag:s20], $0x80  }
0x3c: {  	s14 =	sand.u32 $0xFC00, s13;
	[sflag:s20] =	ssyncset.done $0x0  }
0x3d: {  	s10 =	sadd.s32 s4, s14;
	s9 =	sand.u32 $0x380, s13;
	[sflag:s20] =	ssyncadd.s32 $0xFFFFFF80  }
0x3e: {  	[tilespmem:s22], [sflag:$0x4] =	stream.indirect.gather [hbm4b:s1+s21], $0x80, s17, s21, $0xb8;
	[tilespmem:$0x1ED80] =	vst v63  }
0x3f: {  	s9 =	sor.u32 s9, s10;
	_ =	swait.ge [sflag:s30], $0x2000  }
0x40: {  	s9 =	sshrl.u32 s9, $0x3;
	[sflag:s30] =	ssyncset.done $0x0  }
0x41: {  	s9 =	sadd.s32 s6, s9;
	[sflag:s30] =	ssyncadd.s32 $0xFFFFE000  }
0x42: {  	[tilespmem:s18], [sflag:$0x2] =	stream.linear.gather [hbm4b:s9+s5], $0x80, $0x38;
	[tilespmem:$0x1ED80] =	vst v63  }
0x43: {  	s10 =	simm.s32 $0x80  }
0x44: {  	[spmem:s3] =	stream.indirect.scatter.add.f32 [tilespmem:s24], [sflag:$0x8], $0x80, s10, s21, $0xb8;
	[tilespmem:$0x1ED80] =	vst v63  }
0x45: {  	_ =	swait.ge [sflag:s31], $0x2000  }
0x46: {  	[sflag:s31] =	ssyncset.done $0x0  }
0x47: {  	[sflag:s31] =	ssyncadd.s32 $0xFFFFE000  }
0x48: {  	s11 =	simm.s32 $0x280;
	_ =	swait.ge [sflag:s23], $0x80  }
0x49: {  	s12 =	sand.u32 $0xFC00, s11;
	[sflag:s23] =	ssyncset.done $0x0  }
0x4a: {  	s9 =	sand.u32 $0x380, s11;
	s10 =	sadd.s32 s4, s12;
	[sflag:s23] =	ssyncadd.s32 $0xFFFFFF80  }
0x4b: {  	[tilespmem:s24], [sflag:$0x5] =	stream.indirect.gather [hbm4b:s1+s21], $0x80, s18, s21, $0xb8;
	[tilespmem:$0x1ED80] =	vst v63  }
0x4c: {  	s9 =	sor.u32 s9, s10;
	_ =	swait.ge [sflag:s2], $0x2000  }
0x4d: {  	s9 =	sshrl.u32 s9, $0x3;
	[sflag:s2] =	ssyncset.done $0x0  }
0x4e: {  	s9 =	sadd.s32 s6, s9;
	[sflag:s2] =	ssyncadd.s32 $0xFFFFE000  }
0x4f: {  	[tilespmem:s19], [sflag:$0x3] =	stream.linear.gather [hbm4b:s9+s5], $0x80, $0x38;
	[tilespmem:$0x1ED80] =	vst v63  }
0x50: {  	s11 =	simm.s32 $0x100  }
0x51: {  	[spmem:s3] =	stream.indirect.scatter.add.f32 [tilespmem:s26], [sflag:$0x9], $0x80, s11, s21, $0xb8;
	[tilespmem:$0x1ED80] =	vst v63  }
0x52: {  	s13 =	simm.s32 $0x300;
	_ =	swait.ge [sflag:s0], $0x2000  }
0x53: {  	s14 =	sand.u32 $0xFC00, s13;
	[sflag:s0] =	ssyncset.done $0x0  }
0x54: {  	s12 =	sadd.s32 s4, s14;
	s9 =	sand.u32 $0x380, s13;
	[sflag:s0] =	ssyncadd.s32 $0xFFFFE000  }
0x55: {  	s10 =	simm.s32 $0x400;
	s9 =	sor.u32 s9, s12;
	_ =	swait.ge [sflag:s25], $0x80  }
0x56: {  	s12 =	simm.s32 $0x580;
	s14 =	sshrl.u32 s9, $0x3;
	[sflag:s25] =	ssyncset.done $0x0  }
.LBB2_2:
0x57: {  	[sflag:s25] =	ssyncadd.s32 $0xFFFFFF80  }
0x58: {  	s11 =	sadd.s32 $0x180, s11;
	s13 =	smov.u32 s12;
	s9 =	sadd.s32 $0x180, s12  }
0x59: {  	[tilespmem:s26], [sflag:$0x6] =	stream.indirect.gather [hbm4b:s1+s21], $0x80, s19, s21, $0xb8;
	[tilespmem:$0x1ED80] =	vst v63  }
0x5a: {  	p0 =	sne.s32 s12, $0x4F00;
	_ =	swait.ge [sflag:s28], $0x2000  }
0x5b: {  	s12 =	sadd.s32 s6, s14;
	[sflag:s28] =	ssyncset.done $0x0  }
0x5c: {  	[sflag:s28] =	ssyncadd.s32 $0xFFFFE000  }
0x5d: {  	[tilespmem:s17], [sflag:$0x1] =	stream.linear.gather [hbm4b:s12+s5], $0x80, $0x38;
	[tilespmem:$0x1ED80] =	vst v63  }
0x5e: {  	s12 =	sadd.s32 $0xFFFFFF00, s11  }
0x5f: {  	[spmem:s3] =	stream.indirect.scatter.add.f32 [tilespmem:s22], [sflag:$0x7], $0x80, s12, s21, $0xb8;
	[tilespmem:$0x1ED80] =	vst v63  }
0x60: {  	_ =	swait.ge [sflag:s29], $0x2000  }
0x61: {  	[sflag:s29] =	ssyncset.done $0x0  }
0x62: {  	[sflag:s29] =	ssyncadd.s32 $0xFFFFE000  }
0x63: {  	s12 =	sadd.s32 $0xFFFFFF80, s10;
	_ =	swait.ge [sflag:s20], $0x80  }
0x64: {  	s14 =	sand.u32 $0xFC00, s12;
	s12 =	sand.u32 $0x380, s12;
	[sflag:s20] =	ssyncset.done $0x0  }
0x65: {  	s14 =	sadd.s32 s4, s14;
	[sflag:s20] =	ssyncadd.s32 $0xFFFFFF80  }
0x66: {  	[tilespmem:s22], [sflag:$0x4] =	stream.indirect.gather [hbm4b:s1+s21], $0x80, s17, s21, $0xb8;
	[tilespmem:$0x1ED80] =	vst v63  }
0x67: {  	s12 =	sor.u32 s12, s14;
	_ =	swait.ge [sflag:s30], $0x2000  }
0x68: {  	s12 =	sshrl.u32 s12, $0x3;
	[sflag:s30] =	ssyncset.done $0x0  }
0x69: {  	s14 =	sadd.s32 $0xFFFFFF80, s11;
	s12 =	sadd.s32 s6, s12;
	[sflag:s30] =	ssyncadd.s32 $0xFFFFE000  }
0x6a: {  	[tilespmem:s18], [sflag:$0x2] =	stream.linear.gather [hbm4b:s12+s5], $0x80, $0x38;
	[tilespmem:$0x1ED80] =	vst v63  }
0x6b: {  	_ = 	snop  }
0x6c: {  	[spmem:s3] =	stream.indirect.scatter.add.f32 [tilespmem:s24], [sflag:$0x8], $0x80, s14, s21, $0xb8;
	[tilespmem:$0x1ED80] =	vst v63  }
0x6d: {  	_ =	swait.ge [sflag:s31], $0x2000  }
0x6e: {  	[sflag:s31] =	ssyncset.done $0x0  }
0x6f: {  	[sflag:s31] =	ssyncadd.s32 $0xFFFFE000  }
0x70: {  	_ =	swait.ge [sflag:s23], $0x80  }
0x71: {  	s12 =	sand.u32 $0xFC00, s10;
	[sflag:s23] =	ssyncset.done $0x0  }
0x72: {  	s10 =	sand.u32 $0x380, s10;
	s12 =	sadd.s32 s4, s12;
	[sflag:s23] =	ssyncadd.s32 $0xFFFFFF80  }
0x73: {  	[tilespmem:s24], [sflag:$0x5] =	stream.indirect.gather [hbm4b:s1+s21], $0x80, s18, s21, $0xb8;
	[tilespmem:$0x1ED80] =	vst v63  }
0x74: {  	s12 =	sor.u32 s10, s12;
	s10 =	smov.u32 s13;
	_ =	swait.ge [sflag:s2], $0x2000  }
0x75: {  	s12 =	sshrl.u32 s12, $0x3;
	[sflag:s2] =	ssyncset.done $0x0  }
0x76: {  	s12 =	sadd.s32 s6, s12;
	[sflag:s2] =	ssyncadd.s32 $0xFFFFE000  }
0x77: {  	[tilespmem:s19], [sflag:$0x3] =	stream.linear.gather [hbm4b:s12+s5], $0x80, $0x38;
	[tilespmem:$0x1ED80] =	vst v63  }
0x78: {  	_ = 	snop  }
0x79: {  	[spmem:s3] =	stream.indirect.scatter.add.f32 [tilespmem:s26], [sflag:$0x9], $0x80, s11, s21, $0xb8;
	[tilespmem:$0x1ED80] =	vst v63  }
.Ltmp0:
0x7a: {  	s12 =	sadd.s32 $0xFFFFFF00, s10;
	_ =	swait.ge [sflag:s0], $0x2000;
	(pc) =	sbr.rel @p0 .LBB2_2-.Ltmp0, $4  }
0x7b: {  	s13 =	sand.u32 $0xFC00, s12;
	s12 =	sand.u32 $0x380, s12;
	[sflag:s0] =	ssyncset.done $0x0  }
0x7c: {  	s13 =	sadd.s32 s4, s13;
	[sflag:s0] =	ssyncadd.s32 $0xFFFFE000  }
0x7d: {  	s12 =	sor.u32 s12, s13;
	_ =	swait.ge [sflag:s25], $0x80  }
0x7e: {  	s14 =	sshrl.u32 s12, $0x3;
	s12 =	smov.u32 s9;
	[sflag:s25] =	ssyncset.done $0x0  }
0x7f: {  	[sflag:s25] =	ssyncadd.s32 $0xFFFFFF80  }
0x80: {  	[tilespmem:s26], [sflag:$0x6] =	stream.indirect.gather [hbm4b:s1+s21], $0x80, s19, s21, $0xb8;
	[tilespmem:$0x1ED80] =	vst v63  }
0x81: {  	_ =	swait.ge [sflag:s28], $0x2000  }
0x82: {  	[sflag:s28] =	ssyncset.done $0x0  }
0x83: {  	s9 =	sadd.s32 $0x180, s11;
	s12 =	sadd.s32 s6, s14;
	[sflag:s28] =	ssyncadd.s32 $0xFFFFE000  }
0x84: {  	[tilespmem:s17], [sflag:$0x1] =	stream.linear.gather [hbm4b:s12+s5], $0x80, $0x38;
	[tilespmem:$0x1ED80] =	vst v63  }
0x85: {  	s13 =	sadd.s32 $0xFFFFFF00, s9  }
0x86: {  	[spmem:s3] =	stream.indirect.scatter.add.f32 [tilespmem:s22], [sflag:$0x7], $0x80, s13, s21, $0xb8;
	[tilespmem:$0x1ED80] =	vst v63  }
0x87: {  	_ =	swait.ge [sflag:s29], $0x2000  }
0x88: {  	[sflag:s29] =	ssyncset.done $0x0  }
0x89: {  	[sflag:s29] =	ssyncadd.s32 $0xFFFFE000  }
0x8a: {  	s14 =	sadd.s32 $0xFFFFFF80, s10;
	_ =	swait.ge [sflag:s20], $0x80  }
0x8b: {  	s12 =	sand.u32 $0xFC00, s14;
	[sflag:s20] =	ssyncset.done $0x0  }
0x8c: {  	s11 =	sand.u32 $0x380, s14;
	s12 =	sadd.s32 s4, s12;
	[sflag:s20] =	ssyncadd.s32 $0xFFFFFF80  }
0x8d: {  	[tilespmem:s22], [sflag:$0x4] =	stream.indirect.gather [hbm4b:s1+s21], $0x80, s17, s21, $0xb8;
	[tilespmem:$0x1ED80] =	vst v63  }
0x8e: {  	s11 =	sor.u32 s11, s12;
	_ =	swait.ge [sflag:s30], $0x2000  }
0x8f: {  	s11 =	sshrl.u32 s11, $0x3;
	[sflag:s30] =	ssyncset.done $0x0  }
0x90: {  	s11 =	sadd.s32 s6, s11;
	[sflag:s30] =	ssyncadd.s32 $0xFFFFE000  }
0x91: {  	[tilespmem:s18], [sflag:$0x2] =	stream.linear.gather [hbm4b:s11+s5], $0x80, $0x38;
	[tilespmem:$0x1ED80] =	vst v63  }
0x92: {  	s12 =	sadd.s32 $0xFFFFFF80, s9  }
0x93: {  	[spmem:s3] =	stream.indirect.scatter.add.f32 [tilespmem:s24], [sflag:$0x8], $0x80, s12, s21, $0xb8;
	[tilespmem:$0x1ED80] =	vst v63  }
0x94: {  	_ =	swait.ge [sflag:s31], $0x2000  }
0x95: {  	[sflag:s31] =	ssyncset.done $0x0  }
0x96: {  	[sflag:s31] =	ssyncadd.s32 $0xFFFFE000  }
0x97: {  	_ =	swait.ge [sflag:s23], $0x80  }
0x98: {  	s13 =	sand.u32 $0xFC00, s10;
	[sflag:s23] =	ssyncset.done $0x0  }
0x99: {  	s14 =	sand.u32 $0x380, s10;
	s11 =	sadd.s32 s4, s13;
	[sflag:s23] =	ssyncadd.s32 $0xFFFFFF80  }
0x9a: {  	[tilespmem:s24], [sflag:$0x5] =	stream.indirect.gather [hbm4b:s1+s21], $0x80, s18, s21, $0xb8;
	[tilespmem:$0x1ED80] =	vst v63  }
0x9b: {  	s10 =	sor.u32 s14, s11;
	_ =	swait.ge [sflag:s2], $0x2000  }
0x9c: {  	s10 =	sshrl.u32 s10, $0x3;
	[sflag:s2] =	ssyncset.done $0x0  }
0x9d: {  	s10 =	sadd.s32 s6, s10;
	[sflag:s2] =	ssyncadd.s32 $0xFFFFE000  }
0x9e: {  	[tilespmem:s19], [sflag:$0x3] =	stream.linear.gather [hbm4b:s10+s5], $0x80, $0x38;
	[tilespmem:$0x1ED80] =	vst v63  }
0x9f: {  	_ = 	snop  }
0xa0: {  	[spmem:s3] =	stream.indirect.scatter.add.f32 [tilespmem:s26], [sflag:$0x9], $0x80, s9, s21, $0xb8;
	[tilespmem:$0x1ED80] =	vst v63  }
0xa1: {  	_ =	swait.ge [sflag:s0], $0x2000  }
0xa2: {  	[sflag:s0] =	ssyncset.done $0x0  }
0xa3: {  	[sflag:s0] =	ssyncadd.s32 $0xFFFFE000  }
0xa4: {  	_ =	swait.ge [sflag:s25], $0x80  }
0xa5: {  	[sflag:s25] =	ssyncset.done $0x0  }
0xa6: {  	[sflag:s25] =	ssyncadd.s32 $0xFFFFFF80  }
0xa7: {  	[tilespmem:s26], [sflag:$0x6] =	stream.indirect.gather [hbm4b:s1+s21], $0x80, s19, s21, $0xb8;
	[tilespmem:$0x1ED80] =	vst v63  }
0xa8: {  	_ =	swait.ge [sflag:s28], $0x2000  }
0xa9: {  	[sflag:s28] =	ssyncset.done $0x0  }
0xaa: {  	s10 =	simm.s32 $0x4E00;
	[sflag:s28] =	ssyncadd.s32 $0xFFFFE000  }
0xab: {  	[spmem:s3] =	stream.indirect.scatter.add.f32 [tilespmem:s22], [sflag:$0x7], $0x80, s10, s21, $0xb8;
	[tilespmem:$0x1ED80] =	vst v63  }
0xac: {  	_ =	swait.ge [sflag:s30], $0x2000  }
0xad: {  	[sflag:s30] =	ssyncset.done $0x0  }
0xae: {  	s11 =	simm.s32 $0x4E80;
	[sflag:s30] =	ssyncadd.s32 $0xFFFFE000  }
0xaf: {  	[spmem:s3] =	stream.indirect.scatter.add.f32 [tilespmem:s24], [sflag:$0x8], $0x80, s11, s21, $0xb8;
	[tilespmem:$0x1ED80] =	vst v63  }
0xb0: {  	_ =	swait.ge [sflag:s2], $0x2000  }
0xb1: {  	[sflag:s2] =	ssyncset.done $0x0  }
0xb2: {  	s12 =	simm.s32 $0x4F00;
	[sflag:s2] =	ssyncadd.s32 $0xFFFFE000  }
0xb3: {  	[spmem:s3] =	stream.indirect.scatter.add.f32 [tilespmem:s26], [sflag:$0x9], $0x80, s12, s21, $0xb8;
	[tilespmem:$0x1ED80] =	vst v63  }
0xb4: {  	_ =	swait.ge [sflag:s29], $0x2000  }
0xb5: {  	[sflag:s29] =	ssyncset.done $0x0  }
0xb6: {  	[sflag:s29] =	ssyncadd.s32 $0xFFFFE000  }
0xb7: {  	_ =	swait.ge [sflag:s31], $0x2000  }
0xb8: {  	[sflag:s31] =	ssyncset.done $0x0  }
0xb9: {  	[sflag:s31] =	ssyncadd.s32 $0xFFFFE000  }
0xba: {  	_ =	swait.ge [sflag:s0], $0x2000  }
0xbb: {  	[sflag:s0] =	ssyncset.done $0x0  }
0xbc: {  	[sflag:s0] =	ssyncadd.s32 $0xFFFFE000  }
0xbd: {  	[bflag:$0x0] =	sbarrier.arrive $0xFFFF  }
0xbe: {  	s13 =	rddreg [dreg:$0x9]  }
0xbf: {  	[hbm:s13], [sflag:s8] =	dma.local [spmem:s15], $0x2780  }
0xc0: {  	_ =	swait.ge [sflag:s16], $0x2780  }
0xc1: {  	s7 =	sadd.s32 $0x1, s7;
	s14 =	rddreg [dreg:$0xa]  }
0xc2: {  	p0 =	sne.s32 s7, s14  }
.Ltmp1:
0xc3: {  	_ = 	snop;
	(pc) =	sbr.rel @p0 .LBB2_1-.Ltmp1, $3  }
0xc4: {  	_ =	sdelay $0x1  }
0xc5: {  	[sflag:s16] =	ssyncset.done $0x0  }
0xc6: {  	[sflag:s16] =	ssyncadd.s32 $0xFFFFD880  }
0xc7: {  	_ =	sfence.sel $0x180000  }
0xc8: {  	[bflag:$0x0] =	sbarrier.arrive $0xFFFF  }
0xc9: {  	_ =	strace $0x9000004A  }
0xca: {  	s0 =	stileid.u32;
	[bflag:$0x2] =	sbarrier.arrive $0xFFFF  }
0xcb: {  	p0 =	sne.s32 s0, $0x0;
	s0 =	rddreg [dreg:$0x3]  }
0xcc: {  	s0 =	sadd.s32 @!p0 $0x100000, s0  }
0xcd: {  	[sflag:s0] =	ssyncadd.tile.s32 @!p0 $0x1;
	_ =	shalt  }
.Lfunc_end2:
_tile_overlayer_lowered:
.L_overlay_start_2:
0xce: {  	(tag) =	ssettag $0x2  }
0xcf: {  	s0 =	rddreg [dreg:$0x0];
	s2 =	stileid.u32  }
0xd0: {  	s1 =	rddreg [dreg:$0x1];
	p0 =	sne.s32 s2, $0x0  }
0xd1: {  	s3 =	rddreg [dreg:$0x2];
	[bflag:$0x3] =	sbarrier.arrive $0xFFFF;
	s2 =	simm.s32 @!p0 $0x1C0A  }
0xd2: {  	[timem:s3], [sflag:s2] =	dma.local @!p0 [hbm:s0], s1  }
0xd3: {  	s0 =	simm.s32 @!p0 $0xA  }
0xd4: {  	_ =	swait.ge @!p0 [sflag:s0], s1  }
0xd5: {  	s1 =	ssub.s32 @!p0 $0x0, s1;
	[sflag:s0] =	ssyncset.done @!p0 $0x0  }
0xd6: {  	[sflag:s0] =	ssyncadd.s32 @!p0 s1  }
0xd7: {  	[bflag:$0x3] =	sbarrier.arrive $0xFFFF  }
0xd8: {  	_ =	shalt  }

</sc_bundles>
